<compile_context>
chip_gen: v7x
topology: tpu7x:2x2x1
jax: 0.10.2.dev20260603
libtpu: 0.0.44.dev20260713+nightly
codegen_flags: <defaults>
</compile_context>

<pallas_src>
import jax
import jax.numpy as jnp
from jax import lax
from jax.experimental import pallas as pl
from jax.experimental.pallas import tpu as pltpu
from jax.experimental.pallas import tpu_sc as plsc

NC = 2
NS = 16
NW = NC * NS
L = 16
CHUNK = 128


def _sc_edge_aggregate(x, ei, n_pad, nq, nr, trash):
    N, D = x.shape
    rpt = n_pad // NS

    mesh = plsc.VectorSubcoreMesh(
        core_axis_name="c", subcore_axis_name="s",
        num_cores=NC, num_subcores=NS)

    def body(x_hbm, ei_hbm, aggr_hbm, deg_hbm,
             srcd0, srcd1, dstd0, dstd1, idxb0, idxb1, rb0, rb1,
             deg_v, aggr_sp, sem_i0, sem_i1, sem_g0, sem_g1):
        cid = lax.axis_index("c")
        sid = lax.axis_index("s")
        wid = cid * NS + sid
        nch = nq + jnp.where(wid < nr, 1, 0)
        base = (wid * nq + jnp.minimum(wid, nr)) * CHUNK

        zeros16 = jnp.zeros((L,), jnp.float32)
        ones16 = jnp.ones((L,), jnp.float32)
        trash16 = jnp.full((L,), trash, jnp.int32)

        def idx_dma_start(k, srcd_b, dstd_b, sem):
            off = base + k * CHUNK
            pltpu.async_copy(ei_hbm.at[0, pl.ds(off, CHUNK)], srcd_b, sem)
            pltpu.async_copy(ei_hbm.at[1, pl.ds(off, CHUNK)], dstd_b, sem)

        def idx_dma_wait(srcd_b, dstd_b, sem):
            pltpu.make_async_copy(ei_hbm.at[0, pl.ds(0, CHUNK)], srcd_b, sem).wait()
            pltpu.make_async_copy(ei_hbm.at[1, pl.ds(0, CHUNK)], dstd_b, sem).wait()

        idx_dma_start(0, srcd0, dstd0, sem_i0)
        idx_dma_start(1, srcd1, dstd1, sem_i1)

        def zrb(i, c):
            for cc in range(D // L):
                rb1[i, pl.ds(cc * L, L)] = zeros16
            return c
        lax.fori_loop(0, CHUNK, zrb, 0)

        def zdeg(i, c):
            deg_v[pl.ds(i * L, L)] = zeros16
            return c
        lax.fori_loop(0, n_pad // L, zdeg, 0)

        rowbase = sid * rpt
        nfull, rem = rpt // CHUNK, rpt % CHUNK
        for kk in range(nfull):
            pltpu.sync_copy(rb1, aggr_sp.at[pl.ds(rowbase + kk * CHUNK, CHUNK)])
        if rem:
            pltpu.sync_copy(rb1.at[pl.ds(0, rem)],
                            aggr_sp.at[pl.ds(rowbase + nfull * CHUNK, rem)])
        plsc.subcore_barrier()

        idx_dma_wait(srcd0, dstd0, sem_i0)
        pltpu.async_copy(x_hbm.at[dstd0], rb0, sem_g0)

        def step(j, srcd_b, dstd_b, idxb_b, rb_b, sem_g_b,
                 srcd_o, dstd_o, rb_o, sem_g_o, sem_i_b, sem_i_o):
            for i in range(CHUNK // L):
                s16 = srcd_b[pl.ds(i * L, L)]
                d16 = dstd_b[pl.ds(i * L, L)]
                keep = s16 != d16
                idx16 = jnp.where(keep, s16, trash16)
                idxb_b[pl.ds(i * L, L)] = idx16
                plsc.addupdate_scatter(deg_v, [idx16], ones16)
            pltpu.make_async_copy(x_hbm.at[dstd_b], rb_b, sem_g_b).wait()

            @pl.when(j + 2 < nch)
            def _():
                idx_dma_start(j + 2, srcd_b, dstd_b, sem_i_b)

            @pl.when(j + 1 < nch)
            def _():
                idx_dma_wait(srcd_o, dstd_o, sem_i_o)
                pltpu.async_copy(x_hbm.at[dstd_o], rb_o, sem_g_o)

            pltpu.sync_copy(rb_b, aggr_sp.at[idxb_b], add=True)

        def loop(j, c):
            @pl.when(j % 2 == 0)
            def _():
                step(j, srcd0, dstd0, idxb0, rb0, sem_g0,
                     srcd1, dstd1, rb1, sem_g1, sem_i0, sem_i1)

            @pl.when(j % 2 == 1)
            def _():
                step(j, srcd1, dstd1, idxb1, rb1, sem_g1,
                     srcd0, dstd0, rb0, sem_g0, sem_i1, sem_i0)
            return c
        lax.fori_loop(0, nch, loop, 0)

        plsc.subcore_barrier()
        pltpu.sync_copy(aggr_sp.at[pl.ds(rowbase, rpt)],
                        aggr_hbm.at[cid, pl.ds(rowbase, rpt)])
        pltpu.sync_copy(deg_v, deg_hbm.at[wid])

    f = pl.kernel(
        body,
        out_type=[jax.ShapeDtypeStruct((NC, n_pad, D), jnp.float32),
                  jax.ShapeDtypeStruct((NW, n_pad), jnp.float32)],
        mesh=mesh,
        scratch_types=[
            pltpu.VMEM((CHUNK,), jnp.int32),
            pltpu.VMEM((CHUNK,), jnp.int32),
            pltpu.VMEM((CHUNK,), jnp.int32),
            pltpu.VMEM((CHUNK,), jnp.int32),
            pltpu.VMEM((CHUNK,), jnp.int32),
            pltpu.VMEM((CHUNK,), jnp.int32),
            pltpu.VMEM((CHUNK, D), jnp.float32),
            pltpu.VMEM((CHUNK, D), jnp.float32),
            pltpu.VMEM((n_pad,), jnp.float32),
            pltpu.VMEM_SHARED((n_pad, D), jnp.float32),
            pltpu.SemaphoreType.DMA,
            pltpu.SemaphoreType.DMA,
            pltpu.SemaphoreType.DMA,
            pltpu.SemaphoreType.DMA,
        ],
        compiler_params=pltpu.CompilerParams(needs_layout_passes=False),
    )
    return f(x, ei)


def _combine_body(x_ref, w_ref, w1_ref, b1_ref, w2_ref, b2_ref,
                  ag_ref, dg_ref, o_ref):
    x = x_ref[...]
    lin1 = jnp.dot(x, w1_ref[...], preferred_element_type=jnp.float32) + b1_ref[...]
    lin2 = jnp.dot(x, w2_ref[...], preferred_element_type=jnp.float32) + b2_ref[...]
    ax = ag_ref[0] + ag_ref[1]
    ag = jnp.dot(ax, w_ref[...], preferred_element_type=jnp.float32)
    deg = jnp.sum(dg_ref[...], axis=0)
    o_ref[...] = deg[:, None] * lin1 + ag + lin2


def _combine(x, W, W1, b1, W2, b2, aggr, deg):
    N, D = x.shape
    BN = 2048
    nblk = (N + BN - 1) // BN
    return pl.pallas_call(
        _combine_body,
        grid=(nblk,),
        in_specs=[
            pl.BlockSpec((BN, D), lambda i: (i, 0)),
            pl.BlockSpec((D, D), lambda i: (0, 0)),
            pl.BlockSpec((D, D), lambda i: (0, 0)),
            pl.BlockSpec((1, D), lambda i: (0, 0)),
            pl.BlockSpec((D, D), lambda i: (0, 0)),
            pl.BlockSpec((1, D), lambda i: (0, 0)),
            pl.BlockSpec((NC, BN, D), lambda i: (0, i, 0)),
            pl.BlockSpec((NW, BN), lambda i: (0, i)),
        ],
        out_specs=pl.BlockSpec((BN, D), lambda i: (i, 0)),
        out_shape=jax.ShapeDtypeStruct((N, D), jnp.float32),
    )(x, W, W1, b1, W2, b2, aggr, deg)


@jax.jit
def kernel(x, edge_index, W, W1, b1, W2, b2):
    N, D = x.shape
    E = edge_index.shape[1]

    trash = N
    rpt = ((N + 1 + NS - 1) // NS + 7) // 8 * 8
    n_pad = rpt * NS

    nchunks = (E + CHUNK - 1) // CHUNK
    padn = nchunks * CHUNK - E
    ei = edge_index
    if padn:
        i = jnp.arange(padn, dtype=ei.dtype)
        pad = jnp.stack([N + 1 + i % (n_pad - N - 1), i % N])
        ei = jnp.concatenate([ei, pad], axis=1)
    nq, nr = divmod(nchunks, NW)

    aggr, deg = _sc_edge_aggregate(x, ei, n_pad, nq, nr, trash)
    return _combine(x, W, W1, b1.reshape(1, D),
                    W2, b2.reshape(1, D), aggr, deg)

# --- scband reference (transcript-rebuilt; emitter-appended) ---
"""Pipeline reference for scband-leconv-18734647345433 (READ-ONLY COPY).

The authoritative reference and input builder live on the scoring server;
editing this copy changes nothing except your own understanding.
"""

import jax, jax.numpy as jnp
import numpy as np

N = 10000
E = 320000
D = 128

def setup_inputs(seed: int = 0) -> dict:
    key = jax.random.key(seed)
    ks = jax.random.split(key, 8)
    x = jax.random.normal(ks[0], (N, D), dtype=jnp.float32)
    edge_index = jax.random.randint(ks[1], (2, E), 0, N, dtype=jnp.int32)
    bound_w = 1.0 / np.sqrt(D)
    # Parameter `weight` initialized via uniform(in_channels, weight)
    W = jax.random.uniform(ks[2], (D, D), dtype=jnp.float32, minval=-bound_w, maxval=bound_w)
    # lin1 / lin2: torch Linear default init, stored as [in, out] for x @ W + b
    W1 = jax.random.uniform(ks[3], (D, D), dtype=jnp.float32, minval=-bound_w, maxval=bound_w)
    b1 = jax.random.uniform(ks[4], (D,), dtype=jnp.float32, minval=-bound_w, maxval=bound_w)
    W2 = jax.random.uniform(ks[5], (D, D), dtype=jnp.float32, minval=-bound_w, maxval=bound_w)
    b2 = jax.random.uniform(ks[6], (D,), dtype=jnp.float32, minval=-bound_w, maxval=bound_w)
    return {"x": x, "edge_index": edge_index, "W": W, "W1": W1, "b1": b1, "W2": W2, "b2": b2}

def reference(x, edge_index, W, W1, b1, W2, b2):
    num_nodes = x.shape[0]
    h = jnp.matmul(x, W)
    src = edge_index[0]
    dst = edge_index[1]
    # remove_self_loops: equivalent to zeroing the weight of self-loop edges
    edge_weight = jnp.where(src != dst, jnp.float32(1.0), jnp.float32(0.0))
    # deg = scatter_add(edge_weight, edge_index[0], dim_size=num_nodes)
    deg = jax.ops.segment_sum(edge_weight, src, num_segments=num_nodes)
    # h_j = edge_weight * h[edge_index[1]]; aggr_out = scatter_add over edge_index[0]
    h_j = edge_weight[:, None] * jnp.take(h, dst, axis=0)
    aggr_out = jax.ops.segment_sum(h_j, src, num_segments=num_nodes)
    lin1 = jnp.matmul(x, W1) + b1
    lin2 = jnp.matmul(x, W2) + b2
    out = deg[:, None] * lin1 + aggr_out + lin2
    return out

if __name__ == "__main__":
    import jax
    _d = setup_inputs()
    print(jax.jit(kernel)(*tuple(_d.values())))

</pallas_src>

<mosaic_0001>
#map = affine_map<(d0, d1) -> (0, 0)>
#map1 = affine_map<(d0, d1) -> (0, 0, 0)>
module attributes {stable_mosaic.version = 14 : i64} {
  func.func @body(%arg0: i32, %arg1: i32, %arg2: memref<10000x128xf32, #tpu.memory_space<hbm>>, %arg3: memref<2x320000xi32, #tpu.memory_space<hbm>>, %arg4: memref<2x10112x128xf32, #tpu.memory_space<hbm>>, %arg5: memref<32x10112xf32, #tpu.memory_space<hbm>>, %arg6: memref<128xi32, #tpu.memory_space<vmem>>, %arg7: memref<128xi32, #tpu.memory_space<vmem>>, %arg8: memref<128xi32, #tpu.memory_space<vmem>>, %arg9: memref<128xi32, #tpu.memory_space<vmem>>, %arg10: memref<128xi32, #tpu.memory_space<vmem>>, %arg11: memref<128xi32, #tpu.memory_space<vmem>>, %arg12: memref<128x128xf32, #tpu.memory_space<vmem>>, %arg13: memref<128x128xf32, #tpu.memory_space<vmem>>, %arg14: memref<10112xf32, #tpu.memory_space<vmem>>, %arg15: memref<10112x128xf32, #tpu.memory_space<vmem_shared>>, %arg16: memref<!tpu.dma_semaphore, #tpu.memory_space<semaphore_mem>>, %arg17: memref<!tpu.dma_semaphore, #tpu.memory_space<semaphore_mem>>, %arg18: memref<!tpu.dma_semaphore, #tpu.memory_space<semaphore_mem>>, %arg19: memref<!tpu.dma_semaphore, #tpu.memory_space<semaphore_mem>>) attributes {dimension_semantics = [#tpu.dimension_semantics<core_parallel>, #tpu.dimension_semantics<subcore_parallel>], iteration_bounds = array<i64: 2, 16>, scalar_prefetch = 0 : i64, scratch_operands = 14 : i64, tpu.core_type = #tpu.core_type<sc_vector_subcore>, window_params = [{transform_indices = #map}, {transform_indices = #map}, {transform_indices = #map1}, {transform_indices = #map}]} {
    %mul3A = arith.constant 16 : i32
    %mul3A_0 = arith.muli %arg0, %mul3A : i32
    %add3A = arith.addi %mul3A_0, %arg1 : i32
    %lt3A = arith.constant 4 : i32
    %lt3A_1 = arith.cmpi slt, %add3A, %lt3A : i32
    %jit3A = arith.constant 1 : i32
    %jit3A_2 = arith.constant 0 : i32
    %select_n3A = arith.select %lt3A_1, %jit3A, %jit3A_2 : i32
    %add3A_3 = arith.constant 78 : i32
    %add3A_4 = arith.addi %add3A_3, %select_n3A : i32
    %mul3A_5 = arith.constant 78 : i32
    %mul3A_6 = arith.muli %add3A, %mul3A_5 : i32
    %min3A = arith.constant 4 : i32
    %min3A_7 = arith.minsi %add3A, %min3A : i32
    %add3A_8 = arith.addi %mul3A_6, %min3A_7 : i32
    %mul3A_9 = arith.constant 128 : i32
    %mul3A_10 = arith.muli %add3A_8, %mul3A_9 : i32
    %broadcast_in_dim3A = arith.constant 0.000000e+00 : f32
    %broadcast_in_dim3A_11 = vector.broadcast %broadcast_in_dim3A : f32 to vector<16xf32>
    %broadcast_in_dim3A_12 = arith.constant 1.000000e+00 : f32
    %broadcast_in_dim3A_13 = vector.broadcast %broadcast_in_dim3A_12 : f32 to vector<16xf32>
    %broadcast_in_dim3A_14 = arith.constant 10000 : i32
    %broadcast_in_dim3A_15 = vector.broadcast %broadcast_in_dim3A_14 : i32 to vector<16xi32>
    %add3A_16 = arith.constant 0 : i32
    %add3A_17 = arith.addi %mul3A_10, %add3A_16 : i32
    %dma_start3A = arith.constant 0 : i32
    %dma_start3A_18 = tpu.memref_slice %arg3[%dma_start3A, %add3A_17] : memref<2x320000xi32, #tpu.memory_space<hbm>> -> memref<1x128xi32, #tpu.memory_space<hbm>>
    %dma_start3A_19 = tpu.memref_squeeze %dma_start3A_18 : memref<1x128xi32, #tpu.memory_space<hbm>> -> memref<128xi32, #tpu.memory_space<hbm>>
    %dma_start3A_20 = tpu.memref_slice %arg3[%dma_start3A, %add3A_17] : memref<2x320000xi32, #tpu.memory_space<hbm>> -> memref<1x128xi32, #tpu.memory_space<hbm>>
    %dma_start3A_21 = tpu.memref_squeeze %dma_start3A_20 : memref<1x128xi32, #tpu.memory_space<hbm>> -> memref<128xi32, #tpu.memory_space<hbm>>
    tpu.enqueue_dma source(%dma_start3A_21 : memref<128xi32, #tpu.memory_space<hbm>>) target(%arg6 : memref<128xi32, #tpu.memory_space<vmem>>) target_semaphore(%arg16 : memref<!tpu.dma_semaphore, #tpu.memory_space<semaphore_mem>>)
    %dma_start3A_22 = arith.constant 1 : i32
    %dma_start3A_23 = tpu.memref_slice %arg3[%dma_start3A_22, %add3A_17] : memref<2x320000xi32, #tpu.memory_space<hbm>> -> memref<1x128xi32, #tpu.memory_space<hbm>>
    %dma_start3A_24 = tpu.memref_squeeze %dma_start3A_23 : memref<1x128xi32, #tpu.memory_space<hbm>> -> memref<128xi32, #tpu.memory_space<hbm>>
    %dma_start3A_25 = tpu.memref_slice %arg3[%dma_start3A_22, %add3A_17] : memref<2x320000xi32, #tpu.memory_space<hbm>> -> memref<1x128xi32, #tpu.memory_space<hbm>>
    %dma_start3A_26 = tpu.memref_squeeze %dma_start3A_25 : memref<1x128xi32, #tpu.memory_space<hbm>> -> memref<128xi32, #tpu.memory_space<hbm>>
    tpu.enqueue_dma source(%dma_start3A_26 : memref<128xi32, #tpu.memory_space<hbm>>) target(%arg8 : memref<128xi32, #tpu.memory_space<vmem>>) target_semaphore(%arg16 : memref<!tpu.dma_semaphore, #tpu.memory_space<semaphore_mem>>)
    %add3A_27 = arith.constant 128 : i32
    %add3A_28 = arith.addi %mul3A_10, %add3A_27 : i32
    %dma_start3A_29 = arith.constant 0 : i32
    %dma_start3A_30 = tpu.memref_slice %arg3[%dma_start3A_29, %add3A_28] : memref<2x320000xi32, #tpu.memory_space<hbm>> -> memref<1x128xi32, #tpu.memory_space<hbm>>
    %dma_start3A_31 = tpu.memref_squeeze %dma_start3A_30 : memref<1x128xi32, #tpu.memory_space<hbm>> -> memref<128xi32, #tpu.memory_space<hbm>>
    %dma_start3A_32 = tpu.memref_slice %arg3[%dma_start3A_29, %add3A_28] : memref<2x320000xi32, #tpu.memory_space<hbm>> -> memref<1x128xi32, #tpu.memory_space<hbm>>
    %dma_start3A_33 = tpu.memref_squeeze %dma_start3A_32 : memref<1x128xi32, #tpu.memory_space<hbm>> -> memref<128xi32, #tpu.memory_space<hbm>>
    tpu.enqueue_dma source(%dma_start3A_33 : memref<128xi32, #tpu.memory_space<hbm>>) target(%arg7 : memref<128xi32, #tpu.memory_space<vmem>>) target_semaphore(%arg17 : memref<!tpu.dma_semaphore, #tpu.memory_space<semaphore_mem>>)
    %dma_start3A_34 = arith.constant 1 : i32
    %dma_start3A_35 = tpu.memref_slice %arg3[%dma_start3A_34, %add3A_28] : memref<2x320000xi32, #tpu.memory_space<hbm>> -> memref<1x128xi32, #tpu.memory_space<hbm>>
    %dma_start3A_36 = tpu.memref_squeeze %dma_start3A_35 : memref<1x128xi32, #tpu.memory_space<hbm>> -> memref<128xi32, #tpu.memory_space<hbm>>
    %dma_start3A_37 = tpu.memref_slice %arg3[%dma_start3A_34, %add3A_28] : memref<2x320000xi32, #tpu.memory_space<hbm>> -> memref<1x128xi32, #tpu.memory_space<hbm>>
    %dma_start3A_38 = tpu.memref_squeeze %dma_start3A_37 : memref<1x128xi32, #tpu.memory_space<hbm>> -> memref<128xi32, #tpu.memory_space<hbm>>
    tpu.enqueue_dma source(%dma_start3A_38 : memref<128xi32, #tpu.memory_space<hbm>>) target(%arg9 : memref<128xi32, #tpu.memory_space<vmem>>) target_semaphore(%arg17 : memref<!tpu.dma_semaphore, #tpu.memory_space<semaphore_mem>>)
    %scan3A = arith.constant 0 : i32
    %scan3A_39 = arith.constant 0 : i32
    %scan3A_40 = arith.constant 128 : i32
    %scan3A_41 = arith.addi %scan3A_39, %scan3A_40 : i32
    %scan3A_42 = arith.constant 1 : i32
    scf.for %scan3A_88 = %scan3A_39 to %scan3A_41 step %scan3A_42  : i32 {
      %swap3A = arith.index_cast %scan3A_88 : i32 to index
      %swap3A_89 = arith.constant 0 : index
      %swap3A_90 = tpu.vector_load %arg13[%swap3A, %swap3A_89] {strides = array<i32>} : memref<128x128xf32, #tpu.memory_space<vmem>>, vector<16xf32>,
      tpu.vector_store %arg13[%swap3A, %swap3A_89], %broadcast_in_dim3A_11 {strides = array<i32>} : memref<128x128xf32, #tpu.memory_space<vmem>>, vector<16xf32>,
      %swap3A_91 = arith.index_cast %scan3A_88 : i32 to index
      %swap3A_92 = arith.constant 16 : index
      %swap3A_93 = tpu.vector_load %arg13[%swap3A_91, %swap3A_92] {strides = array<i32>} : memref<128x128xf32, #tpu.memory_space<vmem>>, vector<16xf32>,
      tpu.vector_store %arg13[%swap3A_91, %swap3A_92], %broadcast_in_dim3A_11 {strides = array<i32>} : memref<128x128xf32, #tpu.memory_space<vmem>>, vector<16xf32>,
      %swap3A_94 = arith.index_cast %scan3A_88 : i32 to index
      %swap3A_95 = arith.constant 32 : index
      %swap3A_96 = tpu.vector_load %arg13[%swap3A_94, %swap3A_95] {strides = array<i32>} : memref<128x128xf32, #tpu.memory_space<vmem>>, vector<16xf32>,
      tpu.vector_store %arg13[%swap3A_94, %swap3A_95], %broadcast_in_dim3A_11 {strides = array<i32>} : memref<128x128xf32, #tpu.memory_space<vmem>>, vector<16xf32>,
      %swap3A_97 = arith.index_cast %scan3A_88 : i32 to index
      %swap3A_98 = arith.constant 48 : index
      %swap3A_99 = tpu.vector_load %arg13[%swap3A_97, %swap3A_98] {strides = array<i32>} : memref<128x128xf32, #tpu.memory_space<vmem>>, vector<16xf32>,
      tpu.vector_store %arg13[%swap3A_97, %swap3A_98], %broadcast_in_dim3A_11 {strides = array<i32>} : memref<128x128xf32, #tpu.memory_space<vmem>>, vector<16xf32>,
      %swap3A_100 = arith.index_cast %scan3A_88 : i32 to index
      %swap3A_101 = arith.constant 64 : index
      %swap3A_102 = tpu.vector_load %arg13[%swap3A_100, %swap3A_101] {strides = array<i32>} : memref<128x128xf32, #tpu.memory_space<vmem>>, vector<16xf32>,
      tpu.vector_store %arg13[%swap3A_100, %swap3A_101], %broadcast_in_dim3A_11 {strides = array<i32>} : memref<128x128xf32, #tpu.memory_space<vmem>>, vector<16xf32>,
      %swap3A_103 = arith.index_cast %scan3A_88 : i32 to index
      %swap3A_104 = arith.constant 80 : index
      %swap3A_105 = tpu.vector_load %arg13[%swap3A_103, %swap3A_104] {strides = array<i32>} : memref<128x128xf32, #tpu.memory_space<vmem>>, vector<16xf32>,
      tpu.vector_store %arg13[%swap3A_103, %swap3A_104], %broadcast_in_dim3A_11 {strides = array<i32>} : memref<128x128xf32, #tpu.memory_space<vmem>>, vector<16xf32>,
      %swap3A_106 = arith.index_cast %scan3A_88 : i32 to index
      %swap3A_107 = arith.constant 96 : index
      %swap3A_108 = tpu.vector_load %arg13[%swap3A_106, %swap3A_107] {strides = array<i32>} : memref<128x128xf32, #tpu.memory_space<vmem>>, vector<16xf32>,
      tpu.vector_store %arg13[%swap3A_106, %swap3A_107], %broadcast_in_dim3A_11 {strides = array<i32>} : memref<128x128xf32, #tpu.memory_space<vmem>>, vector<16xf32>,
      %swap3A_109 = arith.index_cast %scan3A_88 : i32 to index
      %swap3A_110 = arith.constant 112 : index
      %swap3A_111 = tpu.vector_load %arg13[%swap3A_109, %swap3A_110] {strides = array<i32>} : memref<128x128xf32, #tpu.memory_space<vmem>>, vector<16xf32>,
      tpu.vector_store %arg13[%swap3A_109, %swap3A_110], %broadcast_in_dim3A_11 {strides = array<i32>} : memref<128x128xf32, #tpu.memory_space<vmem>>, vector<16xf32>,
    }
    %scan3A_43 = arith.constant 128 : i32
    %scan3A_44 = arith.constant 0 : i32
    %scan3A_45 = arith.constant 0 : i32
    %scan3A_46 = arith.constant 632 : i32
    %scan3A_47 = arith.addi %scan3A_45, %scan3A_46 : i32
    %scan3A_48 = arith.constant 1 : i32
    scf.for %scan3A_88 = %scan3A_45 to %scan3A_47 step %scan3A_48  : i32 {
      %mul3A_89 = arith.constant 16 : i32
      %mul3A_90 = arith.muli %scan3A_88, %mul3A_89 : i32
      %swap3A = arith.index_cast %mul3A_90 : i32 to index
      %swap3A_91 = tpu.vector_load %arg14[%swap3A] {strides = array<i32>} : memref<10112xf32, #tpu.memory_space<vmem>>, vector<16xf32>,
      tpu.vector_store %arg14[%swap3A], %broadcast_in_dim3A_11 {strides = array<i32>} : memref<10112xf32, #tpu.memory_space<vmem>>, vector<16xf32>,
    }
    %scan3A_49 = arith.constant 632 : i32
    %mul3A_50 = arith.constant 632 : i32
    %mul3A_51 = arith.muli %arg1, %mul3A_50 : i32
    %add3A_52 = arith.constant 0 : i32
    %add3A_53 = arith.addi %mul3A_51, %add3A_52 : i32
    "tpu.region"() ({
      %run_scoped3A = tpu.sem_alloc : memref<!tpu.dma_semaphore, #tpu.memory_space<semaphore_mem>>
      %dma_start3A_88 = arith.constant 0 : i32
      %dma_start3A_89 = tpu.memref_slice %arg15[%add3A_53, %dma_start3A_88] : memref<10112x128xf32, #tpu.memory_space<vmem_shared>> -> memref<128x128xf32, #tpu.memory_space<vmem_shared>>
      %dma_start3A_90 = arith.constant 0 : i32
      %dma_start3A_91 = tpu.memref_slice %arg15[%add3A_53, %dma_start3A_90] : memref<10112x128xf32, #tpu.memory_space<vmem_shared>> -> memref<128x128xf32, #tpu.memory_space<vmem_shared>>
      tpu.enqueue_dma source(%arg13 : memref<128x128xf32, #tpu.memory_space<vmem>>) target(%dma_start3A_91 : memref<128x128xf32, #tpu.memory_space<vmem_shared>>) target_semaphore(%run_scoped3A : memref<!tpu.dma_semaphore, #tpu.memory_space<semaphore_mem>>)
      %dma_wait3A_92 = arith.constant 0 : i32
      %dma_wait3A_93 = tpu.memref_slice %arg15[%add3A_53, %dma_wait3A_92] : memref<10112x128xf32, #tpu.memory_space<vmem_shared>> -> memref<128x128xf32, #tpu.memory_space<vmem_shared>>
      %dma_wait3A_94 = arith.constant 0 : i32
      %dma_wait3A_95 = tpu.memref_slice %arg15[%add3A_53, %dma_wait3A_94] : memref<10112x128xf32, #tpu.memory_space<vmem_shared>> -> memref<128x128xf32, #tpu.memory_space<vmem_shared>>
      tpu.wait_dma2 semaphore(%run_scoped3A : memref<!tpu.dma_semaphore, #tpu.memory_space<semaphore_mem>>) src(%arg13 : memref<128x128xf32, #tpu.memory_space<vmem>>) dst(%dma_wait3A_95 : memref<128x128xf32, #tpu.memory_space<vmem_shared>>)
      tpu.yield
    }) : () -> ()
    %add3A_54 = arith.constant 128 : i32
    %add3A_55 = arith.addi %mul3A_51, %add3A_54 : i32
    "tpu.region"() ({
      %run_scoped3A = tpu.sem_alloc : memref<!tpu.dma_semaphore, #tpu.memory_space<semaphore_mem>>
      %dma_start3A_88 = arith.constant 0 : i32
      %dma_start3A_89 = tpu.memref_slice %arg15[%add3A_55, %dma_start3A_88] : memref<10112x128xf32, #tpu.memory_space<vmem_shared>> -> memref<128x128xf32, #tpu.memory_space<vmem_shared>>
      %dma_start3A_90 = arith.constant 0 : i32
      %dma_start3A_91 = tpu.memref_slice %arg15[%add3A_55, %dma_start3A_90] : memref<10112x128xf32, #tpu.memory_space<vmem_shared>> -> memref<128x128xf32, #tpu.memory_space<vmem_shared>>
      tpu.enqueue_dma source(%arg13 : memref<128x128xf32, #tpu.memory_space<vmem>>) target(%dma_start3A_91 : memref<128x128xf32, #tpu.memory_space<vmem_shared>>) target_semaphore(%run_scoped3A : memref<!tpu.dma_semaphore, #tpu.memory_space<semaphore_mem>>)
      %dma_wait3A_92 = arith.constant 0 : i32
      %dma_wait3A_93 = tpu.memref_slice %arg15[%add3A_55, %dma_wait3A_92] : memref<10112x128xf32, #tpu.memory_space<vmem_shared>> -> memref<128x128xf32, #tpu.memory_space<vmem_shared>>
      %dma_wait3A_94 = arith.constant 0 : i32
      %dma_wait3A_95 = tpu.memref_slice %arg15[%add3A_55, %dma_wait3A_94] : memref<10112x128xf32, #tpu.memory_space<vmem_shared>> -> memref<128x128xf32, #tpu.memory_space<vmem_shared>>
      tpu.wait_dma2 semaphore(%run_scoped3A : memref<!tpu.dma_semaphore, #tpu.memory_space<semaphore_mem>>) src(%arg13 : memref<128x128xf32, #tpu.memory_space<vmem>>) dst(%dma_wait3A_95 : memref<128x128xf32, #tpu.memory_space<vmem_shared>>)
      tpu.yield
    }) : () -> ()
    %add3A_56 = arith.constant 256 : i32
    %add3A_57 = arith.addi %mul3A_51, %add3A_56 : i32
    "tpu.region"() ({
      %run_scoped3A = tpu.sem_alloc : memref<!tpu.dma_semaphore, #tpu.memory_space<semaphore_mem>>
      %dma_start3A_88 = arith.constant 0 : i32
      %dma_start3A_89 = tpu.memref_slice %arg15[%add3A_57, %dma_start3A_88] : memref<10112x128xf32, #tpu.memory_space<vmem_shared>> -> memref<128x128xf32, #tpu.memory_space<vmem_shared>>
      %dma_start3A_90 = arith.constant 0 : i32
      %dma_start3A_91 = tpu.memref_slice %arg15[%add3A_57, %dma_start3A_90] : memref<10112x128xf32, #tpu.memory_space<vmem_shared>> -> memref<128x128xf32, #tpu.memory_space<vmem_shared>>
      tpu.enqueue_dma source(%arg13 : memref<128x128xf32, #tpu.memory_space<vmem>>) target(%dma_start3A_91 : memref<128x128xf32, #tpu.memory_space<vmem_shared>>) target_semaphore(%run_scoped3A : memref<!tpu.dma_semaphore, #tpu.memory_space<semaphore_mem>>)
      %dma_wait3A_92 = arith.constant 0 : i32
      %dma_wait3A_93 = tpu.memref_slice %arg15[%add3A_57, %dma_wait3A_92] : memref<10112x128xf32, #tpu.memory_space<vmem_shared>> -> memref<128x128xf32, #tpu.memory_space<vmem_shared>>
      %dma_wait3A_94 = arith.constant 0 : i32
      %dma_wait3A_95 = tpu.memref_slice %arg15[%add3A_57, %dma_wait3A_94] : memref<10112x128xf32, #tpu.memory_space<vmem_shared>> -> memref<128x128xf32, #tpu.memory_space<vmem_shared>>
      tpu.wait_dma2 semaphore(%run_scoped3A : memref<!tpu.dma_semaphore, #tpu.memory_space<semaphore_mem>>) src(%arg13 : memref<128x128xf32, #tpu.memory_space<vmem>>) dst(%dma_wait3A_95 : memref<128x128xf32, #tpu.memory_space<vmem_shared>>)
      tpu.yield
    }) : () -> ()
    %add3A_58 = arith.constant 384 : i32
    %add3A_59 = arith.addi %mul3A_51, %add3A_58 : i32
    "tpu.region"() ({
      %run_scoped3A = tpu.sem_alloc : memref<!tpu.dma_semaphore, #tpu.memory_space<semaphore_mem>>
      %dma_start3A_88 = arith.constant 0 : i32
      %dma_start3A_89 = tpu.memref_slice %arg15[%add3A_59, %dma_start3A_88] : memref<10112x128xf32, #tpu.memory_space<vmem_shared>> -> memref<128x128xf32, #tpu.memory_space<vmem_shared>>
      %dma_start3A_90 = arith.constant 0 : i32
      %dma_start3A_91 = tpu.memref_slice %arg15[%add3A_59, %dma_start3A_90] : memref<10112x128xf32, #tpu.memory_space<vmem_shared>> -> memref<128x128xf32, #tpu.memory_space<vmem_shared>>
      tpu.enqueue_dma source(%arg13 : memref<128x128xf32, #tpu.memory_space<vmem>>) target(%dma_start3A_91 : memref<128x128xf32, #tpu.memory_space<vmem_shared>>) target_semaphore(%run_scoped3A : memref<!tpu.dma_semaphore, #tpu.memory_space<semaphore_mem>>)
      %dma_wait3A_92 = arith.constant 0 : i32
      %dma_wait3A_93 = tpu.memref_slice %arg15[%add3A_59, %dma_wait3A_92] : memref<10112x128xf32, #tpu.memory_space<vmem_shared>> -> memref<128x128xf32, #tpu.memory_space<vmem_shared>>
      %dma_wait3A_94 = arith.constant 0 : i32
      %dma_wait3A_95 = tpu.memref_slice %arg15[%add3A_59, %dma_wait3A_94] : memref<10112x128xf32, #tpu.memory_space<vmem_shared>> -> memref<128x128xf32, #tpu.memory_space<vmem_shared>>
      tpu.wait_dma2 semaphore(%run_scoped3A : memref<!tpu.dma_semaphore, #tpu.memory_space<semaphore_mem>>) src(%arg13 : memref<128x128xf32, #tpu.memory_space<vmem>>) dst(%dma_wait3A_95 : memref<128x128xf32, #tpu.memory_space<vmem_shared>>)
      tpu.yield
    }) : () -> ()
    %add3A_60 = arith.constant 512 : i32
    %add3A_61 = arith.addi %mul3A_51, %add3A_60 : i32
    "tpu.region"() ({
      %run_scoped3A = tpu.sem_alloc : memref<!tpu.dma_semaphore, #tpu.memory_space<semaphore_mem>>
      %dma_start3A_88 = arith.constant 0 : i32
      %dma_start3A_89 = arith.constant 0 : i32
      %dma_start3A_90 = tpu.memref_slice %arg13[%dma_start3A_88, %dma_start3A_89] : memref<128x128xf32, #tpu.memory_space<vmem>> -> memref<120x128xf32, #tpu.memory_space<vmem>>
      %dma_start3A_91 = arith.constant 0 : i32
      %dma_start3A_92 = tpu.memref_slice %arg15[%add3A_61, %dma_start3A_91] : memref<10112x128xf32, #tpu.memory_space<vmem_shared>> -> memref<120x128xf32, #tpu.memory_space<vmem_shared>>
      %dma_start3A_93 = arith.constant 0 : i32
      %dma_start3A_94 = tpu.memref_slice %arg15[%add3A_61, %dma_start3A_93] : memref<10112x128xf32, #tpu.memory_space<vmem_shared>> -> memref<120x128xf32, #tpu.memory_space<vmem_shared>>
      %dma_start3A_95 = arith.constant 0 : i32
      %dma_start3A_96 = arith.constant 0 : i32
      %dma_start3A_97 = tpu.memref_slice %arg13[%dma_start3A_95, %dma_start3A_96] : memref<128x128xf32, #tpu.memory_space<vmem>> -> memref<120x128xf32, #tpu.memory_space<vmem>>
      tpu.enqueue_dma source(%dma_start3A_97 : memref<120x128xf32, #tpu.memory_space<vmem>>) target(%dma_start3A_94 : memref<120x128xf32, #tpu.memory_space<vmem_shared>>) target_semaphore(%run_scoped3A : memref<!tpu.dma_semaphore, #tpu.memory_space<semaphore_mem>>)
      %dma_wait3A_98 = arith.constant 0 : i32
      %dma_wait3A_99 = arith.constant 0 : i32
      %dma_wait3A_100 = tpu.memref_slice %arg13[%dma_wait3A_98, %dma_wait3A_99] : memref<128x128xf32, #tpu.memory_space<vmem>> -> memref<120x128xf32, #tpu.memory_space<vmem>>
      %dma_wait3A_101 = arith.constant 0 : i32
      %dma_wait3A_102 = tpu.memref_slice %arg15[%add3A_61, %dma_wait3A_101] : memref<10112x128xf32, #tpu.memory_space<vmem_shared>> -> memref<120x128xf32, #tpu.memory_space<vmem_shared>>
      %dma_wait3A_103 = arith.constant 0 : i32
      %dma_wait3A_104 = tpu.memref_slice %arg15[%add3A_61, %dma_wait3A_103] : memref<10112x128xf32, #tpu.memory_space<vmem_shared>> -> memref<120x128xf32, #tpu.memory_space<vmem_shared>>
      %dma_wait3A_105 = arith.constant 0 : i32
      %dma_wait3A_106 = arith.constant 0 : i32
      %dma_wait3A_107 = tpu.memref_slice %arg13[%dma_wait3A_105, %dma_wait3A_106] : memref<128x128xf32, #tpu.memory_space<vmem>> -> memref<120x128xf32, #tpu.memory_space<vmem>>
      tpu.wait_dma2 semaphore(%run_scoped3A : memref<!tpu.dma_semaphore, #tpu.memory_space<semaphore_mem>>) src(%dma_wait3A_107 : memref<120x128xf32, #tpu.memory_space<vmem>>) dst(%dma_wait3A_104 : memref<120x128xf32, #tpu.memory_space<vmem_shared>>)
      tpu.yield
    }) : () -> ()
    %barrier3A = arith.constant 0 : index
    tpu.barrier barrier_id(%barrier3A)
    %dma_wait3A = arith.constant 0 : i32
    %dma_wait3A_62 = arith.constant 0 : i32
    %dma_wait3A_63 = tpu.memref_slice %arg3[%dma_wait3A, %dma_wait3A_62] : memref<2x320000xi32, #tpu.memory_space<hbm>> -> memref<1x128xi32, #tpu.memory_space<hbm>>
    %dma_wait3A_64 = tpu.memref_squeeze %dma_wait3A_63 : memref<1x128xi32, #tpu.memory_space<hbm>> -> memref<128xi32, #tpu.memory_space<hbm>>
    %dma_wait3A_65 = arith.constant 0 : i32
    %dma_wait3A_66 = tpu.memref_slice %arg3[%dma_wait3A, %dma_wait3A_65] : memref<2x320000xi32, #tpu.memory_space<hbm>> -> memref<1x128xi32, #tpu.memory_space<hbm>>
    %dma_wait3A_67 = tpu.memref_squeeze %dma_wait3A_66 : memref<1x128xi32, #tpu.memory_space<hbm>> -> memref<128xi32, #tpu.memory_space<hbm>>
    tpu.wait_dma2 semaphore(%arg16 : memref<!tpu.dma_semaphore, #tpu.memory_space<semaphore_mem>>) src(%dma_wait3A_67 : memref<128xi32, #tpu.memory_space<hbm>>) dst(%arg6 : memref<128xi32, #tpu.memory_space<vmem>>)
    %dma_wait3A_68 = arith.constant 1 : i32
    %dma_wait3A_69 = arith.constant 0 : i32
    %dma_wait3A_70 = tpu.memref_slice %arg3[%dma_wait3A_68, %dma_wait3A_69] : memref<2x320000xi32, #tpu.memory_space<hbm>> -> memref<1x128xi32, #tpu.memory_space<hbm>>
    %dma_wait3A_71 = tpu.memref_squeeze %dma_wait3A_70 : memref<1x128xi32, #tpu.memory_space<hbm>> -> memref<128xi32, #tpu.memory_space<hbm>>
    %dma_wait3A_72 = arith.constant 0 : i32
    %dma_wait3A_73 = tpu.memref_slice %arg3[%dma_wait3A_68, %dma_wait3A_72] : memref<2x320000xi32, #tpu.memory_space<hbm>> -> memref<1x128xi32, #tpu.memory_space<hbm>>
    %dma_wait3A_74 = tpu.memref_squeeze %dma_wait3A_73 : memref<1x128xi32, #tpu.memory_space<hbm>> -> memref<128xi32, #tpu.memory_space<hbm>>
    tpu.wait_dma2 semaphore(%arg16 : memref<!tpu.dma_semaphore, #tpu.memory_space<semaphore_mem>>) src(%dma_wait3A_74 : memref<128xi32, #tpu.memory_space<hbm>>) dst(%arg8 : memref<128xi32, #tpu.memory_space<vmem>>)
    %dma_start3A_75 = arith.constant 0 : i32
    %dma_start3A_76 = arith.constant 0 : i32
    %dma_start3A_77 = tpu.memref_slice %arg2[%dma_start3A_75, %dma_start3A_76] : memref<10000x128xf32, #tpu.memory_space<hbm>> -> memref<10000x128xf32, #tpu.memory_space<hbm>>
    tpu.enqueue_indirect_dma source(%dma_start3A_77 : memref<10000x128xf32, #tpu.memory_space<hbm>>) target(%arg12 : memref<128x128xf32, #tpu.memory_space<vmem>>) offsets(%arg8 : memref<128xi32, #tpu.memory_space<vmem>>) semaphore(%arg18 : memref<!tpu.dma_semaphore, #tpu.memory_space<semaphore_mem>>)
    %while3A = arith.constant 0 : i32
    %while3A_78 = arith.constant 0 : i32
    %while3A_79 = arith.subi %add3A_4, %while3A_78 : i32
    %while3A_80 = arith.addi %while3A_78, %while3A_79 : i32
    %while3A_81 = arith.constant 1 : i32
    %while3A_82 = arith.divsi %while3A_79, %while3A_81 : i32
    %while3A_83 = arith.muli %while3A_82, %while3A_81 : i32
    %while3A_84 = arith.addi %while3A_78, %while3A_83 : i32
    %while3A_85 = arith.constant 1 : i32
    scf.for %while3A_88 = %while3A_78 to %while3A_84 step %while3A_85  : i32 {
      %jit3A_89 = arith.constant 2 : i32
      %eq3A = arith.constant 0 : i32
      %eq3A_90 = arith.cmpi eq, %jit3A_89, %eq3A : i32
      %jit3A_91 = arith.constant 1 : i32
      %select_n3A_92 = arith.select %eq3A_90, %jit3A_91, %jit3A_89 : i32
      %rem3A = arith.remsi %while3A_88, %select_n3A_92 : i32
      %ne3A = arith.constant 0 : i32
      %ne3A_93 = arith.cmpi ne, %rem3A, %ne3A : i32
      %lt3A_94 = arith.constant 0 : i32
      %lt3A_95 = arith.cmpi slt, %rem3A, %lt3A_94 : i32
      %lt3A_96 = arith.constant 0 : i32
      %lt3A_97 = arith.cmpi slt, %select_n3A_92, %lt3A_96 : i32
      %ne3A_98 = arith.xori %lt3A_95, %lt3A_97 : i1
      %and3A = arith.andi %ne3A_98, %ne3A_93 : i1
      %add3A_99 = arith.addi %rem3A, %select_n3A_92 : i32
      %select_n3A_100 = arith.select %and3A, %add3A_99, %rem3A : i32
      %eq3A_101 = arith.constant 0 : i32
      %eq3A_102 = arith.cmpi eq, %select_n3A_100, %eq3A_101 : i32
      %convert_element_type3A = arith.extui %eq3A_102 : i1 to i32
      %cond3A = arith.constant 0 : i32
      %cond3A_103 = arith.cmpi ne, %convert_element_type3A, %cond3A : i32
      scf.if %cond3A_103 {
        %get3A = arith.constant 0 : index
        %get3A_125 = tpu.vector_load %arg6[%get3A] {strides = array<i32>} : memref<128xi32, #tpu.memory_space<vmem>>, vector<16xi32>,
        %get3A_126 = arith.constant 0 : index
        %get3A_127 = tpu.vector_load %arg8[%get3A_126] {strides = array<i32>} : memref<128xi32, #tpu.memory_space<vmem>>, vector<16xi32>,
        %ne3A_128 = arith.cmpi ne, %get3A_125, %get3A_127 : vector<16xi32>
        %select_n3A_129 = arith.select %ne3A_128, %get3A_125, %broadcast_in_dim3A_15 : vector<16xi1>, vector<16xi32>
        %swap3A = arith.constant 0 : index
        %swap3A_130 = tpu.vector_load %arg10[%swap3A] {strides = array<i32>} : memref<128xi32, #tpu.memory_space<vmem>>, vector<16xi32>,
        tpu.vector_store %arg10[%swap3A], %select_n3A_129 {strides = array<i32>} : memref<128xi32, #tpu.memory_space<vmem>>, vector<16xi32>,
        tpu.vector_store_idx %arg14[%select_n3A_129], %broadcast_in_dim3A_13 {add = true} : memref<10112xf32, #tpu.memory_space<vmem>>[vector<16xi32>], vector<16xf32>,
        %get3A_131 = arith.constant 16 : index
        %get3A_132 = tpu.vector_load %arg6[%get3A_131] {strides = array<i32>} : memref<128xi32, #tpu.memory_space<vmem>>, vector<16xi32>,
        %get3A_133 = arith.constant 16 : index
        %get3A_134 = tpu.vector_load %arg8[%get3A_133] {strides = array<i32>} : memref<128xi32, #tpu.memory_space<vmem>>, vector<16xi32>,
        %ne3A_135 = arith.cmpi ne, %get3A_132, %get3A_134 : vector<16xi32>
        %select_n3A_136 = arith.select %ne3A_135, %get3A_132, %broadcast_in_dim3A_15 : vector<16xi1>, vector<16xi32>
        %swap3A_137 = arith.constant 16 : index
        %swap3A_138 = tpu.vector_load %arg10[%swap3A_137] {strides = array<i32>} : memref<128xi32, #tpu.memory_space<vmem>>, vector<16xi32>,
        tpu.vector_store %arg10[%swap3A_137], %select_n3A_136 {strides = array<i32>} : memref<128xi32, #tpu.memory_space<vmem>>, vector<16xi32>,
        tpu.vector_store_idx %arg14[%select_n3A_136], %broadcast_in_dim3A_13 {add = true} : memref<10112xf32, #tpu.memory_space<vmem>>[vector<16xi32>], vector<16xf32>,
        %get3A_139 = arith.constant 32 : index
        %get3A_140 = tpu.vector_load %arg6[%get3A_139] {strides = array<i32>} : memref<128xi32, #tpu.memory_space<vmem>>, vector<16xi32>,
        %get3A_141 = arith.constant 32 : index
        %get3A_142 = tpu.vector_load %arg8[%get3A_141] {strides = array<i32>} : memref<128xi32, #tpu.memory_space<vmem>>, vector<16xi32>,
        %ne3A_143 = arith.cmpi ne, %get3A_140, %get3A_142 : vector<16xi32>
        %select_n3A_144 = arith.select %ne3A_143, %get3A_140, %broadcast_in_dim3A_15 : vector<16xi1>, vector<16xi32>
        %swap3A_145 = arith.constant 32 : index
        %swap3A_146 = tpu.vector_load %arg10[%swap3A_145] {strides = array<i32>} : memref<128xi32, #tpu.memory_space<vmem>>, vector<16xi32>,
        tpu.vector_store %arg10[%swap3A_145], %select_n3A_144 {strides = array<i32>} : memref<128xi32, #tpu.memory_space<vmem>>, vector<16xi32>,
        tpu.vector_store_idx %arg14[%select_n3A_144], %broadcast_in_dim3A_13 {add = true} : memref<10112xf32, #tpu.memory_space<vmem>>[vector<16xi32>], vector<16xf32>,
        %get3A_147 = arith.constant 48 : index
        %get3A_148 = tpu.vector_load %arg6[%get3A_147] {strides = array<i32>} : memref<128xi32, #tpu.memory_space<vmem>>, vector<16xi32>,
        %get3A_149 = arith.constant 48 : index
        %get3A_150 = tpu.vector_load %arg8[%get3A_149] {strides = array<i32>} : memref<128xi32, #tpu.memory_space<vmem>>, vector<16xi32>,
        %ne3A_151 = arith.cmpi ne, %get3A_148, %get3A_150 : vector<16xi32>
        %select_n3A_152 = arith.select %ne3A_151, %get3A_148, %broadcast_in_dim3A_15 : vector<16xi1>, vector<16xi32>
        %swap3A_153 = arith.constant 48 : index
        %swap3A_154 = tpu.vector_load %arg10[%swap3A_153] {strides = array<i32>} : memref<128xi32, #tpu.memory_space<vmem>>, vector<16xi32>,
        tpu.vector_store %arg10[%swap3A_153], %select_n3A_152 {strides = array<i32>} : memref<128xi32, #tpu.memory_space<vmem>>, vector<16xi32>,
        tpu.vector_store_idx %arg14[%select_n3A_152], %broadcast_in_dim3A_13 {add = true} : memref<10112xf32, #tpu.memory_space<vmem>>[vector<16xi32>], vector<16xf32>,
        %get3A_155 = arith.constant 64 : index
        %get3A_156 = tpu.vector_load %arg6[%get3A_155] {strides = array<i32>} : memref<128xi32, #tpu.memory_space<vmem>>, vector<16xi32>,
        %get3A_157 = arith.constant 64 : index
        %get3A_158 = tpu.vector_load %arg8[%get3A_157] {strides = array<i32>} : memref<128xi32, #tpu.memory_space<vmem>>, vector<16xi32>,
        %ne3A_159 = arith.cmpi ne, %get3A_156, %get3A_158 : vector<16xi32>
        %select_n3A_160 = arith.select %ne3A_159, %get3A_156, %broadcast_in_dim3A_15 : vector<16xi1>, vector<16xi32>
        %swap3A_161 = arith.constant 64 : index
        %swap3A_162 = tpu.vector_load %arg10[%swap3A_161] {strides = array<i32>} : memref<128xi32, #tpu.memory_space<vmem>>, vector<16xi32>,
        tpu.vector_store %arg10[%swap3A_161], %select_n3A_160 {strides = array<i32>} : memref<128xi32, #tpu.memory_space<vmem>>, vector<16xi32>,
        tpu.vector_store_idx %arg14[%select_n3A_160], %broadcast_in_dim3A_13 {add = true} : memref<10112xf32, #tpu.memory_space<vmem>>[vector<16xi32>], vector<16xf32>,
        %get3A_163 = arith.constant 80 : index
        %get3A_164 = tpu.vector_load %arg6[%get3A_163] {strides = array<i32>} : memref<128xi32, #tpu.memory_space<vmem>>, vector<16xi32>,
        %get3A_165 = arith.constant 80 : index
        %get3A_166 = tpu.vector_load %arg8[%get3A_165] {strides = array<i32>} : memref<128xi32, #tpu.memory_space<vmem>>, vector<16xi32>,
        %ne3A_167 = arith.cmpi ne, %get3A_164, %get3A_166 : vector<16xi32>
        %select_n3A_168 = arith.select %ne3A_167, %get3A_164, %broadcast_in_dim3A_15 : vector<16xi1>, vector<16xi32>
        %swap3A_169 = arith.constant 80 : index
        %swap3A_170 = tpu.vector_load %arg10[%swap3A_169] {strides = array<i32>} : memref<128xi32, #tpu.memory_space<vmem>>, vector<16xi32>,
        tpu.vector_store %arg10[%swap3A_169], %select_n3A_168 {strides = array<i32>} : memref<128xi32, #tpu.memory_space<vmem>>, vector<16xi32>,
        tpu.vector_store_idx %arg14[%select_n3A_168], %broadcast_in_dim3A_13 {add = true} : memref<10112xf32, #tpu.memory_space<vmem>>[vector<16xi32>], vector<16xf32>,
        %get3A_171 = arith.constant 96 : index
        %get3A_172 = tpu.vector_load %arg6[%get3A_171] {strides = array<i32>} : memref<128xi32, #tpu.memory_space<vmem>>, vector<16xi32>,
        %get3A_173 = arith.constant 96 : index
        %get3A_174 = tpu.vector_load %arg8[%get3A_173] {strides = array<i32>} : memref<128xi32, #tpu.memory_space<vmem>>, vector<16xi32>,
        %ne3A_175 = arith.cmpi ne, %get3A_172, %get3A_174 : vector<16xi32>
        %select_n3A_176 = arith.select %ne3A_175, %get3A_172, %broadcast_in_dim3A_15 : vector<16xi1>, vector<16xi32>
        %swap3A_177 = arith.constant 96 : index
        %swap3A_178 = tpu.vector_load %arg10[%swap3A_177] {strides = array<i32>} : memref<128xi32, #tpu.memory_space<vmem>>, vector<16xi32>,
        tpu.vector_store %arg10[%swap3A_177], %select_n3A_176 {strides = array<i32>} : memref<128xi32, #tpu.memory_space<vmem>>, vector<16xi32>,
        tpu.vector_store_idx %arg14[%select_n3A_176], %broadcast_in_dim3A_13 {add = true} : memref<10112xf32, #tpu.memory_space<vmem>>[vector<16xi32>], vector<16xf32>,
        %get3A_179 = arith.constant 112 : index
        %get3A_180 = tpu.vector_load %arg6[%get3A_179] {strides = array<i32>} : memref<128xi32, #tpu.memory_space<vmem>>, vector<16xi32>,
        %get3A_181 = arith.constant 112 : index
        %get3A_182 = tpu.vector_load %arg8[%get3A_181] {strides = array<i32>} : memref<128xi32, #tpu.memory_space<vmem>>, vector<16xi32>,
        %ne3A_183 = arith.cmpi ne, %get3A_180, %get3A_182 : vector<16xi32>
        %select_n3A_184 = arith.select %ne3A_183, %get3A_180, %broadcast_in_dim3A_15 : vector<16xi1>, vector<16xi32>
        %swap3A_185 = arith.constant 112 : index
        %swap3A_186 = tpu.vector_load %arg10[%swap3A_185] {strides = array<i32>} : memref<128xi32, #tpu.memory_space<vmem>>, vector<16xi32>,
        tpu.vector_store %arg10[%swap3A_185], %select_n3A_184 {strides = array<i32>} : memref<128xi32, #tpu.memory_space<vmem>>, vector<16xi32>,
        tpu.vector_store_idx %arg14[%select_n3A_184], %broadcast_in_dim3A_13 {add = true} : memref<10112xf32, #tpu.memory_space<vmem>>[vector<16xi32>], vector<16xf32>,
        %dma_wait3A_187 = arith.constant 0 : i32
        %dma_wait3A_188 = arith.constant 0 : i32
        %dma_wait3A_189 = tpu.memref_slice %arg2[%dma_wait3A_187, %dma_wait3A_188] : memref<10000x128xf32, #tpu.memory_space<hbm>> -> memref<10000x128xf32, #tpu.memory_space<hbm>>
        tpu.wait_indirect_dma semaphore(%arg18 : memref<!tpu.dma_semaphore, #tpu.memory_space<semaphore_mem>>) src(%dma_wait3A_189 : memref<10000x128xf32, #tpu.memory_space<hbm>>) dst(%arg12 : memref<128x128xf32, #tpu.memory_space<vmem>>)
        %add3A_190 = arith.constant 2 : i32
        %add3A_191 = arith.addi %while3A_88, %add3A_190 : i32
        %lt3A_192 = arith.cmpi slt, %add3A_191, %add3A_4 : i32
        %convert_element_type3A_193 = arith.extui %lt3A_192 : i1 to i32
        %cond3A_194 = arith.constant 0 : i32
        %cond3A_195 = arith.cmpi ne, %convert_element_type3A_193, %cond3A_194 : i32
        scf.if %cond3A_195 {
          %add3A_202 = arith.constant 2 : i32
          %add3A_203 = arith.addi %while3A_88, %add3A_202 : i32
          %mul3A_204 = arith.constant 128 : i32
          %mul3A_205 = arith.muli %add3A_203, %mul3A_204 : i32
          %add3A_206 = arith.addi %mul3A_10, %mul3A_205 : i32
          %dma_start3A_207 = arith.constant 0 : i32
          %dma_start3A_208 = tpu.memref_slice %arg3[%dma_start3A_207, %add3A_206] : memref<2x320000xi32, #tpu.memory_space<hbm>> -> memref<1x128xi32, #tpu.memory_space<hbm>>
          %dma_start3A_209 = tpu.memref_squeeze %dma_start3A_208 : memref<1x128xi32, #tpu.memory_space<hbm>> -> memref<128xi32, #tpu.memory_space<hbm>>
          %dma_start3A_210 = tpu.memref_slice %arg3[%dma_start3A_207, %add3A_206] : memref<2x320000xi32, #tpu.memory_space<hbm>> -> memref<1x128xi32, #tpu.memory_space<hbm>>
          %dma_start3A_211 = tpu.memref_squeeze %dma_start3A_210 : memref<1x128xi32, #tpu.memory_space<hbm>> -> memref<128xi32, #tpu.memory_space<hbm>>
          tpu.enqueue_dma source(%dma_start3A_211 : memref<128xi32, #tpu.memory_space<hbm>>) target(%arg6 : memref<128xi32, #tpu.memory_space<vmem>>) target_semaphore(%arg16 : memref<!tpu.dma_semaphore, #tpu.memory_space<semaphore_mem>>)
          %dma_start3A_212 = arith.constant 1 : i32
          %dma_start3A_213 = tpu.memref_slice %arg3[%dma_start3A_212, %add3A_206] : memref<2x320000xi32, #tpu.memory_space<hbm>> -> memref<1x128xi32, #tpu.memory_space<hbm>>
          %dma_start3A_214 = tpu.memref_squeeze %dma_start3A_213 : memref<1x128xi32, #tpu.memory_space<hbm>> -> memref<128xi32, #tpu.memory_space<hbm>>
          %dma_start3A_215 = tpu.memref_slice %arg3[%dma_start3A_212, %add3A_206] : memref<2x320000xi32, #tpu.memory_space<hbm>> -> memref<1x128xi32, #tpu.memory_space<hbm>>
          %dma_start3A_216 = tpu.memref_squeeze %dma_start3A_215 : memref<1x128xi32, #tpu.memory_space<hbm>> -> memref<128xi32, #tpu.memory_space<hbm>>
          tpu.enqueue_dma source(%dma_start3A_216 : memref<128xi32, #tpu.memory_space<hbm>>) target(%arg8 : memref<128xi32, #tpu.memory_space<vmem>>) target_semaphore(%arg16 : memref<!tpu.dma_semaphore, #tpu.memory_space<semaphore_mem>>)
        } else {
        }
        %add3A_196 = arith.constant 1 : i32
        %add3A_197 = arith.addi %while3A_88, %add3A_196 : i32
        %lt3A_198 = arith.cmpi slt, %add3A_197, %add3A_4 : i32
        %convert_element_type3A_199 = arith.extui %lt3A_198 : i1 to i32
        %cond3A_200 = arith.constant 0 : i32
        %cond3A_201 = arith.cmpi ne, %convert_element_type3A_199, %cond3A_200 : i32
        scf.if %cond3A_201 {
          %dma_wait3A_202 = arith.constant 0 : i32
          %dma_wait3A_203 = arith.constant 0 : i32
          %dma_wait3A_204 = tpu.memref_slice %arg3[%dma_wait3A_202, %dma_wait3A_203] : memref<2x320000xi32, #tpu.memory_space<hbm>> -> memref<1x128xi32, #tpu.memory_space<hbm>>
          %dma_wait3A_205 = tpu.memref_squeeze %dma_wait3A_204 : memref<1x128xi32, #tpu.memory_space<hbm>> -> memref<128xi32, #tpu.memory_space<hbm>>
          %dma_wait3A_206 = arith.constant 0 : i32
          %dma_wait3A_207 = tpu.memref_slice %arg3[%dma_wait3A_202, %dma_wait3A_206] : memref<2x320000xi32, #tpu.memory_space<hbm>> -> memref<1x128xi32, #tpu.memory_space<hbm>>
          %dma_wait3A_208 = tpu.memref_squeeze %dma_wait3A_207 : memref<1x128xi32, #tpu.memory_space<hbm>> -> memref<128xi32, #tpu.memory_space<hbm>>
          tpu.wait_dma2 semaphore(%arg17 : memref<!tpu.dma_semaphore, #tpu.memory_space<semaphore_mem>>) src(%dma_wait3A_208 : memref<128xi32, #tpu.memory_space<hbm>>) dst(%arg7 : memref<128xi32, #tpu.memory_space<vmem>>)
          %dma_wait3A_209 = arith.constant 1 : i32
          %dma_wait3A_210 = arith.constant 0 : i32
          %dma_wait3A_211 = tpu.memref_slice %arg3[%dma_wait3A_209, %dma_wait3A_210] : memref<2x320000xi32, #tpu.memory_space<hbm>> -> memref<1x128xi32, #tpu.memory_space<hbm>>
          %dma_wait3A_212 = tpu.memref_squeeze %dma_wait3A_211 : memref<1x128xi32, #tpu.memory_space<hbm>> -> memref<128xi32, #tpu.memory_space<hbm>>
          %dma_wait3A_213 = arith.constant 0 : i32
          %dma_wait3A_214 = tpu.memref_slice %arg3[%dma_wait3A_209, %dma_wait3A_213] : memref<2x320000xi32, #tpu.memory_space<hbm>> -> memref<1x128xi32, #tpu.memory_space<hbm>>
          %dma_wait3A_215 = tpu.memref_squeeze %dma_wait3A_214 : memref<1x128xi32, #tpu.memory_space<hbm>> -> memref<128xi32, #tpu.memory_space<hbm>>
          tpu.wait_dma2 semaphore(%arg17 : memref<!tpu.dma_semaphore, #tpu.memory_space<semaphore_mem>>) src(%dma_wait3A_215 : memref<128xi32, #tpu.memory_space<hbm>>) dst(%arg9 : memref<128xi32, #tpu.memory_space<vmem>>)
          %dma_start3A_216 = arith.constant 0 : i32
          %dma_start3A_217 = arith.constant 0 : i32
          %dma_start3A_218 = tpu.memref_slice %arg2[%dma_start3A_216, %dma_start3A_217] : memref<10000x128xf32, #tpu.memory_space<hbm>> -> memref<10000x128xf32, #tpu.memory_space<hbm>>
          tpu.enqueue_indirect_dma source(%dma_start3A_218 : memref<10000x128xf32, #tpu.memory_space<hbm>>) target(%arg13 : memref<128x128xf32, #tpu.memory_space<vmem>>) offsets(%arg9 : memref<128xi32, #tpu.memory_space<vmem>>) semaphore(%arg19 : memref<!tpu.dma_semaphore, #tpu.memory_space<semaphore_mem>>)
        } else {
        }
        "tpu.region"() ({
          %run_scoped3A = tpu.sem_alloc : memref<!tpu.dma_semaphore, #tpu.memory_space<semaphore_mem>>
          %dma_start3A_202 = arith.constant 0 : i32
          %dma_start3A_203 = arith.constant 0 : i32
          %dma_start3A_204 = tpu.memref_slice %arg15[%dma_start3A_202, %dma_start3A_203] : memref<10112x128xf32, #tpu.memory_space<vmem_shared>> -> memref<10112x128xf32, #tpu.memory_space<vmem_shared>>
          tpu.enqueue_indirect_dma source(%arg12 : memref<128x128xf32, #tpu.memory_space<vmem>>) target(%dma_start3A_204 : memref<10112x128xf32, #tpu.memory_space<vmem_shared>>) offsets(%arg10 : memref<128xi32, #tpu.memory_space<vmem>>) semaphore(%run_scoped3A : memref<!tpu.dma_semaphore, #tpu.memory_space<semaphore_mem>>) {add = true}
          %dma_wait3A_205 = arith.constant 0 : i32
          %dma_wait3A_206 = arith.constant 0 : i32
          %dma_wait3A_207 = tpu.memref_slice %arg15[%dma_wait3A_205, %dma_wait3A_206] : memref<10112x128xf32, #tpu.memory_space<vmem_shared>> -> memref<10112x128xf32, #tpu.memory_space<vmem_shared>>
          tpu.wait_indirect_dma semaphore(%run_scoped3A : memref<!tpu.dma_semaphore, #tpu.memory_space<semaphore_mem>>) src(%arg12 : memref<128x128xf32, #tpu.memory_space<vmem>>) dst(%dma_wait3A_207 : memref<10112x128xf32, #tpu.memory_space<vmem_shared>>)
          tpu.yield
        }) : () -> ()
      } else {
      }
      %jit3A_104 = arith.constant 2 : i32
      %eq3A_105 = arith.constant 0 : i32
      %eq3A_106 = arith.cmpi eq, %jit3A_104, %eq3A_105 : i32
      %jit3A_107 = arith.constant 1 : i32
      %select_n3A_108 = arith.select %eq3A_106, %jit3A_107, %jit3A_104 : i32
      %rem3A_109 = arith.remsi %while3A_88, %select_n3A_108 : i32
      %ne3A_110 = arith.constant 0 : i32
      %ne3A_111 = arith.cmpi ne, %rem3A_109, %ne3A_110 : i32
      %lt3A_112 = arith.constant 0 : i32
      %lt3A_113 = arith.cmpi slt, %rem3A_109, %lt3A_112 : i32
      %lt3A_114 = arith.constant 0 : i32
      %lt3A_115 = arith.cmpi slt, %select_n3A_108, %lt3A_114 : i32
      %ne3A_116 = arith.xori %lt3A_113, %lt3A_115 : i1
      %and3A_117 = arith.andi %ne3A_116, %ne3A_111 : i1
      %add3A_118 = arith.addi %rem3A_109, %select_n3A_108 : i32
      %select_n3A_119 = arith.select %and3A_117, %add3A_118, %rem3A_109 : i32
      %eq3A_120 = arith.constant 1 : i32
      %eq3A_121 = arith.cmpi eq, %select_n3A_119, %eq3A_120 : i32
      %convert_element_type3A_122 = arith.extui %eq3A_121 : i1 to i32
      %cond3A_123 = arith.constant 0 : i32
      %cond3A_124 = arith.cmpi ne, %convert_element_type3A_122, %cond3A_123 : i32
      scf.if %cond3A_124 {
        %get3A = arith.constant 0 : index
        %get3A_125 = tpu.vector_load %arg7[%get3A] {strides = array<i32>} : memref<128xi32, #tpu.memory_space<vmem>>, vector<16xi32>,
        %get3A_126 = arith.constant 0 : index
        %get3A_127 = tpu.vector_load %arg9[%get3A_126] {strides = array<i32>} : memref<128xi32, #tpu.memory_space<vmem>>, vector<16xi32>,
        %ne3A_128 = arith.cmpi ne, %get3A_125, %get3A_127 : vector<16xi32>
        %select_n3A_129 = arith.select %ne3A_128, %get3A_125, %broadcast_in_dim3A_15 : vector<16xi1>, vector<16xi32>
        %swap3A = arith.constant 0 : index
        %swap3A_130 = tpu.vector_load %arg11[%swap3A] {strides = array<i32>} : memref<128xi32, #tpu.memory_space<vmem>>, vector<16xi32>,
        tpu.vector_store %arg11[%swap3A], %select_n3A_129 {strides = array<i32>} : memref<128xi32, #tpu.memory_space<vmem>>, vector<16xi32>,
        tpu.vector_store_idx %arg14[%select_n3A_129], %broadcast_in_dim3A_13 {add = true} : memref<10112xf32, #tpu.memory_space<vmem>>[vector<16xi32>], vector<16xf32>,
        %get3A_131 = arith.constant 16 : index
        %get3A_132 = tpu.vector_load %arg7[%get3A_131] {strides = array<i32>} : memref<128xi32, #tpu.memory_space<vmem>>, vector<16xi32>,
        %get3A_133 = arith.constant 16 : index
        %get3A_134 = tpu.vector_load %arg9[%get3A_133] {strides = array<i32>} : memref<128xi32, #tpu.memory_space<vmem>>, vector<16xi32>,
        %ne3A_135 = arith.cmpi ne, %get3A_132, %get3A_134 : vector<16xi32>
        %select_n3A_136 = arith.select %ne3A_135, %get3A_132, %broadcast_in_dim3A_15 : vector<16xi1>, vector<16xi32>
        %swap3A_137 = arith.constant 16 : index
        %swap3A_138 = tpu.vector_load %arg11[%swap3A_137] {strides = array<i32>} : memref<128xi32, #tpu.memory_space<vmem>>, vector<16xi32>,
        tpu.vector_store %arg11[%swap3A_137], %select_n3A_136 {strides = array<i32>} : memref<128xi32, #tpu.memory_space<vmem>>, vector<16xi32>,
        tpu.vector_store_idx %arg14[%select_n3A_136], %broadcast_in_dim3A_13 {add = true} : memref<10112xf32, #tpu.memory_space<vmem>>[vector<16xi32>], vector<16xf32>,
        %get3A_139 = arith.constant 32 : index
        %get3A_140 = tpu.vector_load %arg7[%get3A_139] {strides = array<i32>} : memref<128xi32, #tpu.memory_space<vmem>>, vector<16xi32>,
        %get3A_141 = arith.constant 32 : index
        %get3A_142 = tpu.vector_load %arg9[%get3A_141] {strides = array<i32>} : memref<128xi32, #tpu.memory_space<vmem>>, vector<16xi32>,
        %ne3A_143 = arith.cmpi ne, %get3A_140, %get3A_142 : vector<16xi32>
        %select_n3A_144 = arith.select %ne3A_143, %get3A_140, %broadcast_in_dim3A_15 : vector<16xi1>, vector<16xi32>
        %swap3A_145 = arith.constant 32 : index
        %swap3A_146 = tpu.vector_load %arg11[%swap3A_145] {strides = array<i32>} : memref<128xi32, #tpu.memory_space<vmem>>, vector<16xi32>,
        tpu.vector_store %arg11[%swap3A_145], %select_n3A_144 {strides = array<i32>} : memref<128xi32, #tpu.memory_space<vmem>>, vector<16xi32>,
        tpu.vector_store_idx %arg14[%select_n3A_144], %broadcast_in_dim3A_13 {add = true} : memref<10112xf32, #tpu.memory_space<vmem>>[vector<16xi32>], vector<16xf32>,
        %get3A_147 = arith.constant 48 : index
        %get3A_148 = tpu.vector_load %arg7[%get3A_147] {strides = array<i32>} : memref<128xi32, #tpu.memory_space<vmem>>, vector<16xi32>,
        %get3A_149 = arith.constant 48 : index
        %get3A_150 = tpu.vector_load %arg9[%get3A_149] {strides = array<i32>} : memref<128xi32, #tpu.memory_space<vmem>>, vector<16xi32>,
        %ne3A_151 = arith.cmpi ne, %get3A_148, %get3A_150 : vector<16xi32>
        %select_n3A_152 = arith.select %ne3A_151, %get3A_148, %broadcast_in_dim3A_15 : vector<16xi1>, vector<16xi32>
        %swap3A_153 = arith.constant 48 : index
        %swap3A_154 = tpu.vector_load %arg11[%swap3A_153] {strides = array<i32>} : memref<128xi32, #tpu.memory_space<vmem>>, vector<16xi32>,
        tpu.vector_store %arg11[%swap3A_153], %select_n3A_152 {strides = array<i32>} : memref<128xi32, #tpu.memory_space<vmem>>, vector<16xi32>,
        tpu.vector_store_idx %arg14[%select_n3A_152], %broadcast_in_dim3A_13 {add = true} : memref<10112xf32, #tpu.memory_space<vmem>>[vector<16xi32>], vector<16xf32>,
        %get3A_155 = arith.constant 64 : index
        %get3A_156 = tpu.vector_load %arg7[%get3A_155] {strides = array<i32>} : memref<128xi32, #tpu.memory_space<vmem>>, vector<16xi32>,
        %get3A_157 = arith.constant 64 : index
        %get3A_158 = tpu.vector_load %arg9[%get3A_157] {strides = array<i32>} : memref<128xi32, #tpu.memory_space<vmem>>, vector<16xi32>,
        %ne3A_159 = arith.cmpi ne, %get3A_156, %get3A_158 : vector<16xi32>
        %select_n3A_160 = arith.select %ne3A_159, %get3A_156, %broadcast_in_dim3A_15 : vector<16xi1>, vector<16xi32>
        %swap3A_161 = arith.constant 64 : index
        %swap3A_162 = tpu.vector_load %arg11[%swap3A_161] {strides = array<i32>} : memref<128xi32, #tpu.memory_space<vmem>>, vector<16xi32>,
        tpu.vector_store %arg11[%swap3A_161], %select_n3A_160 {strides = array<i32>} : memref<128xi32, #tpu.memory_space<vmem>>, vector<16xi32>,
        tpu.vector_store_idx %arg14[%select_n3A_160], %broadcast_in_dim3A_13 {add = true} : memref<10112xf32, #tpu.memory_space<vmem>>[vector<16xi32>], vector<16xf32>,
        %get3A_163 = arith.constant 80 : index
        %get3A_164 = tpu.vector_load %arg7[%get3A_163] {strides = array<i32>} : memref<128xi32, #tpu.memory_space<vmem>>, vector<16xi32>,
        %get3A_165 = arith.constant 80 : index
        %get3A_166 = tpu.vector_load %arg9[%get3A_165] {strides = array<i32>} : memref<128xi32, #tpu.memory_space<vmem>>, vector<16xi32>,
        %ne3A_167 = arith.cmpi ne, %get3A_164, %get3A_166 : vector<16xi32>
        %select_n3A_168 = arith.select %ne3A_167, %get3A_164, %broadcast_in_dim3A_15 : vector<16xi1>, vector<16xi32>
        %swap3A_169 = arith.constant 80 : index
        %swap3A_170 = tpu.vector_load %arg11[%swap3A_169] {strides = array<i32>} : memref<128xi32, #tpu.memory_space<vmem>>, vector<16xi32>,
        tpu.vector_store %arg11[%swap3A_169], %select_n3A_168 {strides = array<i32>} : memref<128xi32, #tpu.memory_space<vmem>>, vector<16xi32>,
        tpu.vector_store_idx %arg14[%select_n3A_168], %broadcast_in_dim3A_13 {add = true} : memref<10112xf32, #tpu.memory_space<vmem>>[vector<16xi32>], vector<16xf32>,
        %get3A_171 = arith.constant 96 : index
        %get3A_172 = tpu.vector_load %arg7[%get3A_171] {strides = array<i32>} : memref<128xi32, #tpu.memory_space<vmem>>, vector<16xi32>,
        %get3A_173 = arith.constant 96 : index
        %get3A_174 = tpu.vector_load %arg9[%get3A_173] {strides = array<i32>} : memref<128xi32, #tpu.memory_space<vmem>>, vector<16xi32>,
        %ne3A_175 = arith.cmpi ne, %get3A_172, %get3A_174 : vector<16xi32>
        %select_n3A_176 = arith.select %ne3A_175, %get3A_172, %broadcast_in_dim3A_15 : vector<16xi1>, vector<16xi32>
        %swap3A_177 = arith.constant 96 : index
        %swap3A_178 = tpu.vector_load %arg11[%swap3A_177] {strides = array<i32>} : memref<128xi32, #tpu.memory_space<vmem>>, vector<16xi32>,
        tpu.vector_store %arg11[%swap3A_177], %select_n3A_176 {strides = array<i32>} : memref<128xi32, #tpu.memory_space<vmem>>, vector<16xi32>,
        tpu.vector_store_idx %arg14[%select_n3A_176], %broadcast_in_dim3A_13 {add = true} : memref<10112xf32, #tpu.memory_space<vmem>>[vector<16xi32>], vector<16xf32>,
        %get3A_179 = arith.constant 112 : index
        %get3A_180 = tpu.vector_load %arg7[%get3A_179] {strides = array<i32>} : memref<128xi32, #tpu.memory_space<vmem>>, vector<16xi32>,
        %get3A_181 = arith.constant 112 : index
        %get3A_182 = tpu.vector_load %arg9[%get3A_181] {strides = array<i32>} : memref<128xi32, #tpu.memory_space<vmem>>, vector<16xi32>,
        %ne3A_183 = arith.cmpi ne, %get3A_180, %get3A_182 : vector<16xi32>
        %select_n3A_184 = arith.select %ne3A_183, %get3A_180, %broadcast_in_dim3A_15 : vector<16xi1>, vector<16xi32>
        %swap3A_185 = arith.constant 112 : index
        %swap3A_186 = tpu.vector_load %arg11[%swap3A_185] {strides = array<i32>} : memref<128xi32, #tpu.memory_space<vmem>>, vector<16xi32>,
        tpu.vector_store %arg11[%swap3A_185], %select_n3A_184 {strides = array<i32>} : memref<128xi32, #tpu.memory_space<vmem>>, vector<16xi32>,
        tpu.vector_store_idx %arg14[%select_n3A_184], %broadcast_in_dim3A_13 {add = true} : memref<10112xf32, #tpu.memory_space<vmem>>[vector<16xi32>], vector<16xf32>,
        %dma_wait3A_187 = arith.constant 0 : i32
        %dma_wait3A_188 = arith.constant 0 : i32
        %dma_wait3A_189 = tpu.memref_slice %arg2[%dma_wait3A_187, %dma_wait3A_188] : memref<10000x128xf32, #tpu.memory_space<hbm>> -> memref<10000x128xf32, #tpu.memory_space<hbm>>
        tpu.wait_indirect_dma semaphore(%arg19 : memref<!tpu.dma_semaphore, #tpu.memory_space<semaphore_mem>>) src(%dma_wait3A_189 : memref<10000x128xf32, #tpu.memory_space<hbm>>) dst(%arg13 : memref<128x128xf32, #tpu.memory_space<vmem>>)
        %add3A_190 = arith.constant 2 : i32
        %add3A_191 = arith.addi %while3A_88, %add3A_190 : i32
        %lt3A_192 = arith.cmpi slt, %add3A_191, %add3A_4 : i32
        %convert_element_type3A_193 = arith.extui %lt3A_192 : i1 to i32
        %cond3A_194 = arith.constant 0 : i32
        %cond3A_195 = arith.cmpi ne, %convert_element_type3A_193, %cond3A_194 : i32
        scf.if %cond3A_195 {
          %add3A_202 = arith.constant 2 : i32
          %add3A_203 = arith.addi %while3A_88, %add3A_202 : i32
          %mul3A_204 = arith.constant 128 : i32
          %mul3A_205 = arith.muli %add3A_203, %mul3A_204 : i32
          %add3A_206 = arith.addi %mul3A_10, %mul3A_205 : i32
          %dma_start3A_207 = arith.constant 0 : i32
          %dma_start3A_208 = tpu.memref_slice %arg3[%dma_start3A_207, %add3A_206] : memref<2x320000xi32, #tpu.memory_space<hbm>> -> memref<1x128xi32, #tpu.memory_space<hbm>>
          %dma_start3A_209 = tpu.memref_squeeze %dma_start3A_208 : memref<1x128xi32, #tpu.memory_space<hbm>> -> memref<128xi32, #tpu.memory_space<hbm>>
          %dma_start3A_210 = tpu.memref_slice %arg3[%dma_start3A_207, %add3A_206] : memref<2x320000xi32, #tpu.memory_space<hbm>> -> memref<1x128xi32, #tpu.memory_space<hbm>>
          %dma_start3A_211 = tpu.memref_squeeze %dma_start3A_210 : memref<1x128xi32, #tpu.memory_space<hbm>> -> memref<128xi32, #tpu.memory_space<hbm>>
          tpu.enqueue_dma source(%dma_start3A_211 : memref<128xi32, #tpu.memory_space<hbm>>) target(%arg7 : memref<128xi32, #tpu.memory_space<vmem>>) target_semaphore(%arg17 : memref<!tpu.dma_semaphore, #tpu.memory_space<semaphore_mem>>)
          %dma_start3A_212 = arith.constant 1 : i32
          %dma_start3A_213 = tpu.memref_slice %arg3[%dma_start3A_212, %add3A_206] : memref<2x320000xi32, #tpu.memory_space<hbm>> -> memref<1x128xi32, #tpu.memory_space<hbm>>
          %dma_start3A_214 = tpu.memref_squeeze %dma_start3A_213 : memref<1x128xi32, #tpu.memory_space<hbm>> -> memref<128xi32, #tpu.memory_space<hbm>>
          %dma_start3A_215 = tpu.memref_slice %arg3[%dma_start3A_212, %add3A_206] : memref<2x320000xi32, #tpu.memory_space<hbm>> -> memref<1x128xi32, #tpu.memory_space<hbm>>
          %dma_start3A_216 = tpu.memref_squeeze %dma_start3A_215 : memref<1x128xi32, #tpu.memory_space<hbm>> -> memref<128xi32, #tpu.memory_space<hbm>>
          tpu.enqueue_dma source(%dma_start3A_216 : memref<128xi32, #tpu.memory_space<hbm>>) target(%arg9 : memref<128xi32, #tpu.memory_space<vmem>>) target_semaphore(%arg17 : memref<!tpu.dma_semaphore, #tpu.memory_space<semaphore_mem>>)
        } else {
        }
        %add3A_196 = arith.constant 1 : i32
        %add3A_197 = arith.addi %while3A_88, %add3A_196 : i32
        %lt3A_198 = arith.cmpi slt, %add3A_197, %add3A_4 : i32
        %convert_element_type3A_199 = arith.extui %lt3A_198 : i1 to i32
        %cond3A_200 = arith.constant 0 : i32
        %cond3A_201 = arith.cmpi ne, %convert_element_type3A_199, %cond3A_200 : i32
        scf.if %cond3A_201 {
          %dma_wait3A_202 = arith.constant 0 : i32
          %dma_wait3A_203 = arith.constant 0 : i32
          %dma_wait3A_204 = tpu.memref_slice %arg3[%dma_wait3A_202, %dma_wait3A_203] : memref<2x320000xi32, #tpu.memory_space<hbm>> -> memref<1x128xi32, #tpu.memory_space<hbm>>
          %dma_wait3A_205 = tpu.memref_squeeze %dma_wait3A_204 : memref<1x128xi32, #tpu.memory_space<hbm>> -> memref<128xi32, #tpu.memory_space<hbm>>
          %dma_wait3A_206 = arith.constant 0 : i32
          %dma_wait3A_207 = tpu.memref_slice %arg3[%dma_wait3A_202, %dma_wait3A_206] : memref<2x320000xi32, #tpu.memory_space<hbm>> -> memref<1x128xi32, #tpu.memory_space<hbm>>
          %dma_wait3A_208 = tpu.memref_squeeze %dma_wait3A_207 : memref<1x128xi32, #tpu.memory_space<hbm>> -> memref<128xi32, #tpu.memory_space<hbm>>
          tpu.wait_dma2 semaphore(%arg16 : memref<!tpu.dma_semaphore, #tpu.memory_space<semaphore_mem>>) src(%dma_wait3A_208 : memref<128xi32, #tpu.memory_space<hbm>>) dst(%arg6 : memref<128xi32, #tpu.memory_space<vmem>>)
          %dma_wait3A_209 = arith.constant 1 : i32
          %dma_wait3A_210 = arith.constant 0 : i32
          %dma_wait3A_211 = tpu.memref_slice %arg3[%dma_wait3A_209, %dma_wait3A_210] : memref<2x320000xi32, #tpu.memory_space<hbm>> -> memref<1x128xi32, #tpu.memory_space<hbm>>
          %dma_wait3A_212 = tpu.memref_squeeze %dma_wait3A_211 : memref<1x128xi32, #tpu.memory_space<hbm>> -> memref<128xi32, #tpu.memory_space<hbm>>
          %dma_wait3A_213 = arith.constant 0 : i32
          %dma_wait3A_214 = tpu.memref_slice %arg3[%dma_wait3A_209, %dma_wait3A_213] : memref<2x320000xi32, #tpu.memory_space<hbm>> -> memref<1x128xi32, #tpu.memory_space<hbm>>
          %dma_wait3A_215 = tpu.memref_squeeze %dma_wait3A_214 : memref<1x128xi32, #tpu.memory_space<hbm>> -> memref<128xi32, #tpu.memory_space<hbm>>
          tpu.wait_dma2 semaphore(%arg16 : memref<!tpu.dma_semaphore, #tpu.memory_space<semaphore_mem>>) src(%dma_wait3A_215 : memref<128xi32, #tpu.memory_space<hbm>>) dst(%arg8 : memref<128xi32, #tpu.memory_space<vmem>>)
          %dma_start3A_216 = arith.constant 0 : i32
          %dma_start3A_217 = arith.constant 0 : i32
          %dma_start3A_218 = tpu.memref_slice %arg2[%dma_start3A_216, %dma_start3A_217] : memref<10000x128xf32, #tpu.memory_space<hbm>> -> memref<10000x128xf32, #tpu.memory_space<hbm>>
          tpu.enqueue_indirect_dma source(%dma_start3A_218 : memref<10000x128xf32, #tpu.memory_space<hbm>>) target(%arg12 : memref<128x128xf32, #tpu.memory_space<vmem>>) offsets(%arg8 : memref<128xi32, #tpu.memory_space<vmem>>) semaphore(%arg18 : memref<!tpu.dma_semaphore, #tpu.memory_space<semaphore_mem>>)
        } else {
        }
        "tpu.region"() ({
          %run_scoped3A = tpu.sem_alloc : memref<!tpu.dma_semaphore, #tpu.memory_space<semaphore_mem>>
          %dma_start3A_202 = arith.constant 0 : i32
          %dma_start3A_203 = arith.constant 0 : i32
          %dma_start3A_204 = tpu.memref_slice %arg15[%dma_start3A_202, %dma_start3A_203] : memref<10112x128xf32, #tpu.memory_space<vmem_shared>> -> memref<10112x128xf32, #tpu.memory_space<vmem_shared>>
          tpu.enqueue_indirect_dma source(%arg13 : memref<128x128xf32, #tpu.memory_space<vmem>>) target(%dma_start3A_204 : memref<10112x128xf32, #tpu.memory_space<vmem_shared>>) offsets(%arg11 : memref<128xi32, #tpu.memory_space<vmem>>) semaphore(%run_scoped3A : memref<!tpu.dma_semaphore, #tpu.memory_space<semaphore_mem>>) {add = true}
          %dma_wait3A_205 = arith.constant 0 : i32
          %dma_wait3A_206 = arith.constant 0 : i32
          %dma_wait3A_207 = tpu.memref_slice %arg15[%dma_wait3A_205, %dma_wait3A_206] : memref<10112x128xf32, #tpu.memory_space<vmem_shared>> -> memref<10112x128xf32, #tpu.memory_space<vmem_shared>>
          tpu.wait_indirect_dma semaphore(%run_scoped3A : memref<!tpu.dma_semaphore, #tpu.memory_space<semaphore_mem>>) src(%arg13 : memref<128x128xf32, #tpu.memory_space<vmem>>) dst(%dma_wait3A_207 : memref<10112x128xf32, #tpu.memory_space<vmem_shared>>)
          tpu.yield
        }) : () -> ()
      } else {
      }
    }
    %while3A_86 = arith.constant 1 : i32
    scf.for %while3A_88 = %while3A_84 to %while3A_80 step %while3A_86  : i32 {
      %jit3A_89 = arith.constant 2 : i32
      %eq3A = arith.constant 0 : i32
      %eq3A_90 = arith.cmpi eq, %jit3A_89, %eq3A : i32
      %jit3A_91 = arith.constant 1 : i32
      %select_n3A_92 = arith.select %eq3A_90, %jit3A_91, %jit3A_89 : i32
      %rem3A = arith.remsi %while3A_88, %select_n3A_92 : i32
      %ne3A = arith.constant 0 : i32
      %ne3A_93 = arith.cmpi ne, %rem3A, %ne3A : i32
      %lt3A_94 = arith.constant 0 : i32
      %lt3A_95 = arith.cmpi slt, %rem3A, %lt3A_94 : i32
      %lt3A_96 = arith.constant 0 : i32
      %lt3A_97 = arith.cmpi slt, %select_n3A_92, %lt3A_96 : i32
      %ne3A_98 = arith.xori %lt3A_95, %lt3A_97 : i1
      %and3A = arith.andi %ne3A_98, %ne3A_93 : i1
      %add3A_99 = arith.addi %rem3A, %select_n3A_92 : i32
      %select_n3A_100 = arith.select %and3A, %add3A_99, %rem3A : i32
      %eq3A_101 = arith.constant 0 : i32
      %eq3A_102 = arith.cmpi eq, %select_n3A_100, %eq3A_101 : i32
      %convert_element_type3A = arith.extui %eq3A_102 : i1 to i32
      %cond3A = arith.constant 0 : i32
      %cond3A_103 = arith.cmpi ne, %convert_element_type3A, %cond3A : i32
      scf.if %cond3A_103 {
        %get3A = arith.constant 0 : index
        %get3A_125 = tpu.vector_load %arg6[%get3A] {strides = array<i32>} : memref<128xi32, #tpu.memory_space<vmem>>, vector<16xi32>,
        %get3A_126 = arith.constant 0 : index
        %get3A_127 = tpu.vector_load %arg8[%get3A_126] {strides = array<i32>} : memref<128xi32, #tpu.memory_space<vmem>>, vector<16xi32>,
        %ne3A_128 = arith.cmpi ne, %get3A_125, %get3A_127 : vector<16xi32>
        %select_n3A_129 = arith.select %ne3A_128, %get3A_125, %broadcast_in_dim3A_15 : vector<16xi1>, vector<16xi32>
        %swap3A = arith.constant 0 : index
        %swap3A_130 = tpu.vector_load %arg10[%swap3A] {strides = array<i32>} : memref<128xi32, #tpu.memory_space<vmem>>, vector<16xi32>,
        tpu.vector_store %arg10[%swap3A], %select_n3A_129 {strides = array<i32>} : memref<128xi32, #tpu.memory_space<vmem>>, vector<16xi32>,
        tpu.vector_store_idx %arg14[%select_n3A_129], %broadcast_in_dim3A_13 {add = true} : memref<10112xf32, #tpu.memory_space<vmem>>[vector<16xi32>], vector<16xf32>,
        %get3A_131 = arith.constant 16 : index
        %get3A_132 = tpu.vector_load %arg6[%get3A_131] {strides = array<i32>} : memref<128xi32, #tpu.memory_space<vmem>>, vector<16xi32>,
        %get3A_133 = arith.constant 16 : index
        %get3A_134 = tpu.vector_load %arg8[%get3A_133] {strides = array<i32>} : memref<128xi32, #tpu.memory_space<vmem>>, vector<16xi32>,
        %ne3A_135 = arith.cmpi ne, %get3A_132, %get3A_134 : vector<16xi32>
        %select_n3A_136 = arith.select %ne3A_135, %get3A_132, %broadcast_in_dim3A_15 : vector<16xi1>, vector<16xi32>
        %swap3A_137 = arith.constant 16 : index
        %swap3A_138 = tpu.vector_load %arg10[%swap3A_137] {strides = array<i32>} : memref<128xi32, #tpu.memory_space<vmem>>, vector<16xi32>,
        tpu.vector_store %arg10[%swap3A_137], %select_n3A_136 {strides = array<i32>} : memref<128xi32, #tpu.memory_space<vmem>>, vector<16xi32>,
        tpu.vector_store_idx %arg14[%select_n3A_136], %broadcast_in_dim3A_13 {add = true} : memref<10112xf32, #tpu.memory_space<vmem>>[vector<16xi32>], vector<16xf32>,
        %get3A_139 = arith.constant 32 : index
        %get3A_140 = tpu.vector_load %arg6[%get3A_139] {strides = array<i32>} : memref<128xi32, #tpu.memory_space<vmem>>, vector<16xi32>,
        %get3A_141 = arith.constant 32 : index
        %get3A_142 = tpu.vector_load %arg8[%get3A_141] {strides = array<i32>} : memref<128xi32, #tpu.memory_space<vmem>>, vector<16xi32>,
        %ne3A_143 = arith.cmpi ne, %get3A_140, %get3A_142 : vector<16xi32>
        %select_n3A_144 = arith.select %ne3A_143, %get3A_140, %broadcast_in_dim3A_15 : vector<16xi1>, vector<16xi32>
        %swap3A_145 = arith.constant 32 : index
        %swap3A_146 = tpu.vector_load %arg10[%swap3A_145] {strides = array<i32>} : memref<128xi32, #tpu.memory_space<vmem>>, vector<16xi32>,
        tpu.vector_store %arg10[%swap3A_145], %select_n3A_144 {strides = array<i32>} : memref<128xi32, #tpu.memory_space<vmem>>, vector<16xi32>,
        tpu.vector_store_idx %arg14[%select_n3A_144], %broadcast_in_dim3A_13 {add = true} : memref<10112xf32, #tpu.memory_space<vmem>>[vector<16xi32>], vector<16xf32>,
        %get3A_147 = arith.constant 48 : index
        %get3A_148 = tpu.vector_load %arg6[%get3A_147] {strides = array<i32>} : memref<128xi32, #tpu.memory_space<vmem>>, vector<16xi32>,
        %get3A_149 = arith.constant 48 : index
        %get3A_150 = tpu.vector_load %arg8[%get3A_149] {strides = array<i32>} : memref<128xi32, #tpu.memory_space<vmem>>, vector<16xi32>,
        %ne3A_151 = arith.cmpi ne, %get3A_148, %get3A_150 : vector<16xi32>
        %select_n3A_152 = arith.select %ne3A_151, %get3A_148, %broadcast_in_dim3A_15 : vector<16xi1>, vector<16xi32>
        %swap3A_153 = arith.constant 48 : index
        %swap3A_154 = tpu.vector_load %arg10[%swap3A_153] {strides = array<i32>} : memref<128xi32, #tpu.memory_space<vmem>>, vector<16xi32>,
        tpu.vector_store %arg10[%swap3A_153], %select_n3A_152 {strides = array<i32>} : memref<128xi32, #tpu.memory_space<vmem>>, vector<16xi32>,
        tpu.vector_store_idx %arg14[%select_n3A_152], %broadcast_in_dim3A_13 {add = true} : memref<10112xf32, #tpu.memory_space<vmem>>[vector<16xi32>], vector<16xf32>,
        %get3A_155 = arith.constant 64 : index
        %get3A_156 = tpu.vector_load %arg6[%get3A_155] {strides = array<i32>} : memref<128xi32, #tpu.memory_space<vmem>>, vector<16xi32>,
        %get3A_157 = arith.constant 64 : index
        %get3A_158 = tpu.vector_load %arg8[%get3A_157] {strides = array<i32>} : memref<128xi32, #tpu.memory_space<vmem>>, vector<16xi32>,
        %ne3A_159 = arith.cmpi ne, %get3A_156, %get3A_158 : vector<16xi32>
        %select_n3A_160 = arith.select %ne3A_159, %get3A_156, %broadcast_in_dim3A_15 : vector<16xi1>, vector<16xi32>
        %swap3A_161 = arith.constant 64 : index
        %swap3A_162 = tpu.vector_load %arg10[%swap3A_161] {strides = array<i32>} : memref<128xi32, #tpu.memory_space<vmem>>, vector<16xi32>,
        tpu.vector_store %arg10[%swap3A_161], %select_n3A_160 {strides = array<i32>} : memref<128xi32, #tpu.memory_space<vmem>>, vector<16xi32>,
        tpu.vector_store_idx %arg14[%select_n3A_160], %broadcast_in_dim3A_13 {add = true} : memref<10112xf32, #tpu.memory_space<vmem>>[vector<16xi32>], vector<16xf32>,
        %get3A_163 = arith.constant 80 : index
        %get3A_164 = tpu.vector_load %arg6[%get3A_163] {strides = array<i32>} : memref<128xi32, #tpu.memory_space<vmem>>, vector<16xi32>,
        %get3A_165 = arith.constant 80 : index
        %get3A_166 = tpu.vector_load %arg8[%get3A_165] {strides = array<i32>} : memref<128xi32, #tpu.memory_space<vmem>>, vector<16xi32>,
        %ne3A_167 = arith.cmpi ne, %get3A_164, %get3A_166 : vector<16xi32>
        %select_n3A_168 = arith.select %ne3A_167, %get3A_164, %broadcast_in_dim3A_15 : vector<16xi1>, vector<16xi32>
        %swap3A_169 = arith.constant 80 : index
        %swap3A_170 = tpu.vector_load %arg10[%swap3A_169] {strides = array<i32>} : memref<128xi32, #tpu.memory_space<vmem>>, vector<16xi32>,
        tpu.vector_store %arg10[%swap3A_169], %select_n3A_168 {strides = array<i32>} : memref<128xi32, #tpu.memory_space<vmem>>, vector<16xi32>,
        tpu.vector_store_idx %arg14[%select_n3A_168], %broadcast_in_dim3A_13 {add = true} : memref<10112xf32, #tpu.memory_space<vmem>>[vector<16xi32>], vector<16xf32>,
        %get3A_171 = arith.constant 96 : index
        %get3A_172 = tpu.vector_load %arg6[%get3A_171] {strides = array<i32>} : memref<128xi32, #tpu.memory_space<vmem>>, vector<16xi32>,
        %get3A_173 = arith.constant 96 : index
        %get3A_174 = tpu.vector_load %arg8[%get3A_173] {strides = array<i32>} : memref<128xi32, #tpu.memory_space<vmem>>, vector<16xi32>,
        %ne3A_175 = arith.cmpi ne, %get3A_172, %get3A_174 : vector<16xi32>
        %select_n3A_176 = arith.select %ne3A_175, %get3A_172, %broadcast_in_dim3A_15 : vector<16xi1>, vector<16xi32>
        %swap3A_177 = arith.constant 96 : index
        %swap3A_178 = tpu.vector_load %arg10[%swap3A_177] {strides = array<i32>} : memref<128xi32, #tpu.memory_space<vmem>>, vector<16xi32>,
        tpu.vector_store %arg10[%swap3A_177], %select_n3A_176 {strides = array<i32>} : memref<128xi32, #tpu.memory_space<vmem>>, vector<16xi32>,
        tpu.vector_store_idx %arg14[%select_n3A_176], %broadcast_in_dim3A_13 {add = true} : memref<10112xf32, #tpu.memory_space<vmem>>[vector<16xi32>], vector<16xf32>,
        %get3A_179 = arith.constant 112 : index
        %get3A_180 = tpu.vector_load %arg6[%get3A_179] {strides = array<i32>} : memref<128xi32, #tpu.memory_space<vmem>>, vector<16xi32>,
        %get3A_181 = arith.constant 112 : index
        %get3A_182 = tpu.vector_load %arg8[%get3A_181] {strides = array<i32>} : memref<128xi32, #tpu.memory_space<vmem>>, vector<16xi32>,
        %ne3A_183 = arith.cmpi ne, %get3A_180, %get3A_182 : vector<16xi32>
        %select_n3A_184 = arith.select %ne3A_183, %get3A_180, %broadcast_in_dim3A_15 : vector<16xi1>, vector<16xi32>
        %swap3A_185 = arith.constant 112 : index
        %swap3A_186 = tpu.vector_load %arg10[%swap3A_185] {strides = array<i32>} : memref<128xi32, #tpu.memory_space<vmem>>, vector<16xi32>,
        tpu.vector_store %arg10[%swap3A_185], %select_n3A_184 {strides = array<i32>} : memref<128xi32, #tpu.memory_space<vmem>>, vector<16xi32>,
        tpu.vector_store_idx %arg14[%select_n3A_184], %broadcast_in_dim3A_13 {add = true} : memref<10112xf32, #tpu.memory_space<vmem>>[vector<16xi32>], vector<16xf32>,
        %dma_wait3A_187 = arith.constant 0 : i32
        %dma_wait3A_188 = arith.constant 0 : i32
        %dma_wait3A_189 = tpu.memref_slice %arg2[%dma_wait3A_187, %dma_wait3A_188] : memref<10000x128xf32, #tpu.memory_space<hbm>> -> memref<10000x128xf32, #tpu.memory_space<hbm>>
        tpu.wait_indirect_dma semaphore(%arg18 : memref<!tpu.dma_semaphore, #tpu.memory_space<semaphore_mem>>) src(%dma_wait3A_189 : memref<10000x128xf32, #tpu.memory_space<hbm>>) dst(%arg12 : memref<128x128xf32, #tpu.memory_space<vmem>>)
        %add3A_190 = arith.constant 2 : i32
        %add3A_191 = arith.addi %while3A_88, %add3A_190 : i32
        %lt3A_192 = arith.cmpi slt, %add3A_191, %add3A_4 : i32
        %convert_element_type3A_193 = arith.extui %lt3A_192 : i1 to i32
        %cond3A_194 = arith.constant 0 : i32
        %cond3A_195 = arith.cmpi ne, %convert_element_type3A_193, %cond3A_194 : i32
        scf.if %cond3A_195 {
          %add3A_202 = arith.constant 2 : i32
          %add3A_203 = arith.addi %while3A_88, %add3A_202 : i32
          %mul3A_204 = arith.constant 128 : i32
          %mul3A_205 = arith.muli %add3A_203, %mul3A_204 : i32
          %add3A_206 = arith.addi %mul3A_10, %mul3A_205 : i32
          %dma_start3A_207 = arith.constant 0 : i32
          %dma_start3A_208 = tpu.memref_slice %arg3[%dma_start3A_207, %add3A_206] : memref<2x320000xi32, #tpu.memory_space<hbm>> -> memref<1x128xi32, #tpu.memory_space<hbm>>
          %dma_start3A_209 = tpu.memref_squeeze %dma_start3A_208 : memref<1x128xi32, #tpu.memory_space<hbm>> -> memref<128xi32, #tpu.memory_space<hbm>>
          %dma_start3A_210 = tpu.memref_slice %arg3[%dma_start3A_207, %add3A_206] : memref<2x320000xi32, #tpu.memory_space<hbm>> -> memref<1x128xi32, #tpu.memory_space<hbm>>
          %dma_start3A_211 = tpu.memref_squeeze %dma_start3A_210 : memref<1x128xi32, #tpu.memory_space<hbm>> -> memref<128xi32, #tpu.memory_space<hbm>>
          tpu.enqueue_dma source(%dma_start3A_211 : memref<128xi32, #tpu.memory_space<hbm>>) target(%arg6 : memref<128xi32, #tpu.memory_space<vmem>>) target_semaphore(%arg16 : memref<!tpu.dma_semaphore, #tpu.memory_space<semaphore_mem>>)
          %dma_start3A_212 = arith.constant 1 : i32
          %dma_start3A_213 = tpu.memref_slice %arg3[%dma_start3A_212, %add3A_206] : memref<2x320000xi32, #tpu.memory_space<hbm>> -> memref<1x128xi32, #tpu.memory_space<hbm>>
          %dma_start3A_214 = tpu.memref_squeeze %dma_start3A_213 : memref<1x128xi32, #tpu.memory_space<hbm>> -> memref<128xi32, #tpu.memory_space<hbm>>
          %dma_start3A_215 = tpu.memref_slice %arg3[%dma_start3A_212, %add3A_206] : memref<2x320000xi32, #tpu.memory_space<hbm>> -> memref<1x128xi32, #tpu.memory_space<hbm>>
          %dma_start3A_216 = tpu.memref_squeeze %dma_start3A_215 : memref<1x128xi32, #tpu.memory_space<hbm>> -> memref<128xi32, #tpu.memory_space<hbm>>
          tpu.enqueue_dma source(%dma_start3A_216 : memref<128xi32, #tpu.memory_space<hbm>>) target(%arg8 : memref<128xi32, #tpu.memory_space<vmem>>) target_semaphore(%arg16 : memref<!tpu.dma_semaphore, #tpu.memory_space<semaphore_mem>>)
        } else {
        }
        %add3A_196 = arith.constant 1 : i32
        %add3A_197 = arith.addi %while3A_88, %add3A_196 : i32
        %lt3A_198 = arith.cmpi slt, %add3A_197, %add3A_4 : i32
        %convert_element_type3A_199 = arith.extui %lt3A_198 : i1 to i32
        %cond3A_200 = arith.constant 0 : i32
        %cond3A_201 = arith.cmpi ne, %convert_element_type3A_199, %cond3A_200 : i32
        scf.if %cond3A_201 {
          %dma_wait3A_202 = arith.constant 0 : i32
          %dma_wait3A_203 = arith.constant 0 : i32
          %dma_wait3A_204 = tpu.memref_slice %arg3[%dma_wait3A_202, %dma_wait3A_203] : memref<2x320000xi32, #tpu.memory_space<hbm>> -> memref<1x128xi32, #tpu.memory_space<hbm>>
          %dma_wait3A_205 = tpu.memref_squeeze %dma_wait3A_204 : memref<1x128xi32, #tpu.memory_space<hbm>> -> memref<128xi32, #tpu.memory_space<hbm>>
          %dma_wait3A_206 = arith.constant 0 : i32
          %dma_wait3A_207 = tpu.memref_slice %arg3[%dma_wait3A_202, %dma_wait3A_206] : memref<2x320000xi32, #tpu.memory_space<hbm>> -> memref<1x128xi32, #tpu.memory_space<hbm>>
          %dma_wait3A_208 = tpu.memref_squeeze %dma_wait3A_207 : memref<1x128xi32, #tpu.memory_space<hbm>> -> memref<128xi32, #tpu.memory_space<hbm>>
          tpu.wait_dma2 semaphore(%arg17 : memref<!tpu.dma_semaphore, #tpu.memory_space<semaphore_mem>>) src(%dma_wait3A_208 : memref<128xi32, #tpu.memory_space<hbm>>) dst(%arg7 : memref<128xi32, #tpu.memory_space<vmem>>)
          %dma_wait3A_209 = arith.constant 1 : i32
          %dma_wait3A_210 = arith.constant 0 : i32
          %dma_wait3A_211 = tpu.memref_slice %arg3[%dma_wait3A_209, %dma_wait3A_210] : memref<2x320000xi32, #tpu.memory_space<hbm>> -> memref<1x128xi32, #tpu.memory_space<hbm>>
          %dma_wait3A_212 = tpu.memref_squeeze %dma_wait3A_211 : memref<1x128xi32, #tpu.memory_space<hbm>> -> memref<128xi32, #tpu.memory_space<hbm>>
          %dma_wait3A_213 = arith.constant 0 : i32
          %dma_wait3A_214 = tpu.memref_slice %arg3[%dma_wait3A_209, %dma_wait3A_213] : memref<2x320000xi32, #tpu.memory_space<hbm>> -> memref<1x128xi32, #tpu.memory_space<hbm>>
          %dma_wait3A_215 = tpu.memref_squeeze %dma_wait3A_214 : memref<1x128xi32, #tpu.memory_space<hbm>> -> memref<128xi32, #tpu.memory_space<hbm>>
          tpu.wait_dma2 semaphore(%arg17 : memref<!tpu.dma_semaphore, #tpu.memory_space<semaphore_mem>>) src(%dma_wait3A_215 : memref<128xi32, #tpu.memory_space<hbm>>) dst(%arg9 : memref<128xi32, #tpu.memory_space<vmem>>)
          %dma_start3A_216 = arith.constant 0 : i32
          %dma_start3A_217 = arith.constant 0 : i32
          %dma_start3A_218 = tpu.memref_slice %arg2[%dma_start3A_216, %dma_start3A_217] : memref<10000x128xf32, #tpu.memory_space<hbm>> -> memref<10000x128xf32, #tpu.memory_space<hbm>>
          tpu.enqueue_indirect_dma source(%dma_start3A_218 : memref<10000x128xf32, #tpu.memory_space<hbm>>) target(%arg13 : memref<128x128xf32, #tpu.memory_space<vmem>>) offsets(%arg9 : memref<128xi32, #tpu.memory_space<vmem>>) semaphore(%arg19 : memref<!tpu.dma_semaphore, #tpu.memory_space<semaphore_mem>>)
        } else {
        }
        "tpu.region"() ({
          %run_scoped3A = tpu.sem_alloc : memref<!tpu.dma_semaphore, #tpu.memory_space<semaphore_mem>>
          %dma_start3A_202 = arith.constant 0 : i32
          %dma_start3A_203 = arith.constant 0 : i32
          %dma_start3A_204 = tpu.memref_slice %arg15[%dma_start3A_202, %dma_start3A_203] : memref<10112x128xf32, #tpu.memory_space<vmem_shared>> -> memref<10112x128xf32, #tpu.memory_space<vmem_shared>>
          tpu.enqueue_indirect_dma source(%arg12 : memref<128x128xf32, #tpu.memory_space<vmem>>) target(%dma_start3A_204 : memref<10112x128xf32, #tpu.memory_space<vmem_shared>>) offsets(%arg10 : memref<128xi32, #tpu.memory_space<vmem>>) semaphore(%run_scoped3A : memref<!tpu.dma_semaphore, #tpu.memory_space<semaphore_mem>>) {add = true}
          %dma_wait3A_205 = arith.constant 0 : i32
          %dma_wait3A_206 = arith.constant 0 : i32
          %dma_wait3A_207 = tpu.memref_slice %arg15[%dma_wait3A_205, %dma_wait3A_206] : memref<10112x128xf32, #tpu.memory_space<vmem_shared>> -> memref<10112x128xf32, #tpu.memory_space<vmem_shared>>
          tpu.wait_indirect_dma semaphore(%run_scoped3A : memref<!tpu.dma_semaphore, #tpu.memory_space<semaphore_mem>>) src(%arg12 : memref<128x128xf32, #tpu.memory_space<vmem>>) dst(%dma_wait3A_207 : memref<10112x128xf32, #tpu.memory_space<vmem_shared>>)
          tpu.yield
        }) : () -> ()
      } else {
      }
      %jit3A_104 = arith.constant 2 : i32
      %eq3A_105 = arith.constant 0 : i32
      %eq3A_106 = arith.cmpi eq, %jit3A_104, %eq3A_105 : i32
      %jit3A_107 = arith.constant 1 : i32
      %select_n3A_108 = arith.select %eq3A_106, %jit3A_107, %jit3A_104 : i32
      %rem3A_109 = arith.remsi %while3A_88, %select_n3A_108 : i32
      %ne3A_110 = arith.constant 0 : i32
      %ne3A_111 = arith.cmpi ne, %rem3A_109, %ne3A_110 : i32
      %lt3A_112 = arith.constant 0 : i32
      %lt3A_113 = arith.cmpi slt, %rem3A_109, %lt3A_112 : i32
      %lt3A_114 = arith.constant 0 : i32
      %lt3A_115 = arith.cmpi slt, %select_n3A_108, %lt3A_114 : i32
      %ne3A_116 = arith.xori %lt3A_113, %lt3A_115 : i1
      %and3A_117 = arith.andi %ne3A_116, %ne3A_111 : i1
      %add3A_118 = arith.addi %rem3A_109, %select_n3A_108 : i32
      %select_n3A_119 = arith.select %and3A_117, %add3A_118, %rem3A_109 : i32
      %eq3A_120 = arith.constant 1 : i32
      %eq3A_121 = arith.cmpi eq, %select_n3A_119, %eq3A_120 : i32
      %convert_element_type3A_122 = arith.extui %eq3A_121 : i1 to i32
      %cond3A_123 = arith.constant 0 : i32
      %cond3A_124 = arith.cmpi ne, %convert_element_type3A_122, %cond3A_123 : i32
      scf.if %cond3A_124 {
        %get3A = arith.constant 0 : index
        %get3A_125 = tpu.vector_load %arg7[%get3A] {strides = array<i32>} : memref<128xi32, #tpu.memory_space<vmem>>, vector<16xi32>,
        %get3A_126 = arith.constant 0 : index
        %get3A_127 = tpu.vector_load %arg9[%get3A_126] {strides = array<i32>} : memref<128xi32, #tpu.memory_space<vmem>>, vector<16xi32>,
        %ne3A_128 = arith.cmpi ne, %get3A_125, %get3A_127 : vector<16xi32>
        %select_n3A_129 = arith.select %ne3A_128, %get3A_125, %broadcast_in_dim3A_15 : vector<16xi1>, vector<16xi32>
        %swap3A = arith.constant 0 : index
        %swap3A_130 = tpu.vector_load %arg11[%swap3A] {strides = array<i32>} : memref<128xi32, #tpu.memory_space<vmem>>, vector<16xi32>,
        tpu.vector_store %arg11[%swap3A], %select_n3A_129 {strides = array<i32>} : memref<128xi32, #tpu.memory_space<vmem>>, vector<16xi32>,
        tpu.vector_store_idx %arg14[%select_n3A_129], %broadcast_in_dim3A_13 {add = true} : memref<10112xf32, #tpu.memory_space<vmem>>[vector<16xi32>], vector<16xf32>,
        %get3A_131 = arith.constant 16 : index
        %get3A_132 = tpu.vector_load %arg7[%get3A_131] {strides = array<i32>} : memref<128xi32, #tpu.memory_space<vmem>>, vector<16xi32>,
        %get3A_133 = arith.constant 16 : index
        %get3A_134 = tpu.vector_load %arg9[%get3A_133] {strides = array<i32>} : memref<128xi32, #tpu.memory_space<vmem>>, vector<16xi32>,
        %ne3A_135 = arith.cmpi ne, %get3A_132, %get3A_134 : vector<16xi32>
        %select_n3A_136 = arith.select %ne3A_135, %get3A_132, %broadcast_in_dim3A_15 : vector<16xi1>, vector<16xi32>
        %swap3A_137 = arith.constant 16 : index
        %swap3A_138 = tpu.vector_load %arg11[%swap3A_137] {strides = array<i32>} : memref<128xi32, #tpu.memory_space<vmem>>, vector<16xi32>,
        tpu.vector_store %arg11[%swap3A_137], %select_n3A_136 {strides = array<i32>} : memref<128xi32, #tpu.memory_space<vmem>>, vector<16xi32>,
        tpu.vector_store_idx %arg14[%select_n3A_136], %broadcast_in_dim3A_13 {add = true} : memref<10112xf32, #tpu.memory_space<vmem>>[vector<16xi32>], vector<16xf32>,
        %get3A_139 = arith.constant 32 : index
        %get3A_140 = tpu.vector_load %arg7[%get3A_139] {strides = array<i32>} : memref<128xi32, #tpu.memory_space<vmem>>, vector<16xi32>,
        %get3A_141 = arith.constant 32 : index
        %get3A_142 = tpu.vector_load %arg9[%get3A_141] {strides = array<i32>} : memref<128xi32, #tpu.memory_space<vmem>>, vector<16xi32>,
        %ne3A_143 = arith.cmpi ne, %get3A_140, %get3A_142 : vector<16xi32>
        %select_n3A_144 = arith.select %ne3A_143, %get3A_140, %broadcast_in_dim3A_15 : vector<16xi1>, vector<16xi32>
        %swap3A_145 = arith.constant 32 : index
        %swap3A_146 = tpu.vector_load %arg11[%swap3A_145] {strides = array<i32>} : memref<128xi32, #tpu.memory_space<vmem>>, vector<16xi32>,
        tpu.vector_store %arg11[%swap3A_145], %select_n3A_144 {strides = array<i32>} : memref<128xi32, #tpu.memory_space<vmem>>, vector<16xi32>,
        tpu.vector_store_idx %arg14[%select_n3A_144], %broadcast_in_dim3A_13 {add = true} : memref<10112xf32, #tpu.memory_space<vmem>>[vector<16xi32>], vector<16xf32>,
        %get3A_147 = arith.constant 48 : index
        %get3A_148 = tpu.vector_load %arg7[%get3A_147] {strides = array<i32>} : memref<128xi32, #tpu.memory_space<vmem>>, vector<16xi32>,
        %get3A_149 = arith.constant 48 : index
        %get3A_150 = tpu.vector_load %arg9[%get3A_149] {strides = array<i32>} : memref<128xi32, #tpu.memory_space<vmem>>, vector<16xi32>,
        %ne3A_151 = arith.cmpi ne, %get3A_148, %get3A_150 : vector<16xi32>
        %select_n3A_152 = arith.select %ne3A_151, %get3A_148, %broadcast_in_dim3A_15 : vector<16xi1>, vector<16xi32>
        %swap3A_153 = arith.constant 48 : index
        %swap3A_154 = tpu.vector_load %arg11[%swap3A_153] {strides = array<i32>} : memref<128xi32, #tpu.memory_space<vmem>>, vector<16xi32>,
        tpu.vector_store %arg11[%swap3A_153], %select_n3A_152 {strides = array<i32>} : memref<128xi32, #tpu.memory_space<vmem>>, vector<16xi32>,
        tpu.vector_store_idx %arg14[%select_n3A_152], %broadcast_in_dim3A_13 {add = true} : memref<10112xf32, #tpu.memory_space<vmem>>[vector<16xi32>], vector<16xf32>,
        %get3A_155 = arith.constant 64 : index
        %get3A_156 = tpu.vector_load %arg7[%get3A_155] {strides = array<i32>} : memref<128xi32, #tpu.memory_space<vmem>>, vector<16xi32>,
        %get3A_157 = arith.constant 64 : index
        %get3A_158 = tpu.vector_load %arg9[%get3A_157] {strides = array<i32>} : memref<128xi32, #tpu.memory_space<vmem>>, vector<16xi32>,
        %ne3A_159 = arith.cmpi ne, %get3A_156, %get3A_158 : vector<16xi32>
        %select_n3A_160 = arith.select %ne3A_159, %get3A_156, %broadcast_in_dim3A_15 : vector<16xi1>, vector<16xi32>
        %swap3A_161 = arith.constant 64 : index
        %swap3A_162 = tpu.vector_load %arg11[%swap3A_161] {strides = array<i32>} : memref<128xi32, #tpu.memory_space<vmem>>, vector<16xi32>,
        tpu.vector_store %arg11[%swap3A_161], %select_n3A_160 {strides = array<i32>} : memref<128xi32, #tpu.memory_space<vmem>>, vector<16xi32>,
        tpu.vector_store_idx %arg14[%select_n3A_160], %broadcast_in_dim3A_13 {add = true} : memref<10112xf32, #tpu.memory_space<vmem>>[vector<16xi32>], vector<16xf32>,
        %get3A_163 = arith.constant 80 : index
        %get3A_164 = tpu.vector_load %arg7[%get3A_163] {strides = array<i32>} : memref<128xi32, #tpu.memory_space<vmem>>, vector<16xi32>,
        %get3A_165 = arith.constant 80 : index
        %get3A_166 = tpu.vector_load %arg9[%get3A_165] {strides = array<i32>} : memref<128xi32, #tpu.memory_space<vmem>>, vector<16xi32>,
        %ne3A_167 = arith.cmpi ne, %get3A_164, %get3A_166 : vector<16xi32>
        %select_n3A_168 = arith.select %ne3A_167, %get3A_164, %broadcast_in_dim3A_15 : vector<16xi1>, vector<16xi32>
        %swap3A_169 = arith.constant 80 : index
        %swap3A_170 = tpu.vector_load %arg11[%swap3A_169] {strides = array<i32>} : memref<128xi32, #tpu.memory_space<vmem>>, vector<16xi32>,
        tpu.vector_store %arg11[%swap3A_169], %select_n3A_168 {strides = array<i32>} : memref<128xi32, #tpu.memory_space<vmem>>, vector<16xi32>,
        tpu.vector_store_idx %arg14[%select_n3A_168], %broadcast_in_dim3A_13 {add = true} : memref<10112xf32, #tpu.memory_space<vmem>>[vector<16xi32>], vector<16xf32>,
        %get3A_171 = arith.constant 96 : index
        %get3A_172 = tpu.vector_load %arg7[%get3A_171] {strides = array<i32>} : memref<128xi32, #tpu.memory_space<vmem>>, vector<16xi32>,
        %get3A_173 = arith.constant 96 : index
        %get3A_174 = tpu.vector_load %arg9[%get3A_173] {strides = array<i32>} : memref<128xi32, #tpu.memory_space<vmem>>, vector<16xi32>,
        %ne3A_175 = arith.cmpi ne, %get3A_172, %get3A_174 : vector<16xi32>
        %select_n3A_176 = arith.select %ne3A_175, %get3A_172, %broadcast_in_dim3A_15 : vector<16xi1>, vector<16xi32>
        %swap3A_177 = arith.constant 96 : index
        %swap3A_178 = tpu.vector_load %arg11[%swap3A_177] {strides = array<i32>} : memref<128xi32, #tpu.memory_space<vmem>>, vector<16xi32>,
        tpu.vector_store %arg11[%swap3A_177], %select_n3A_176 {strides = array<i32>} : memref<128xi32, #tpu.memory_space<vmem>>, vector<16xi32>,
        tpu.vector_store_idx %arg14[%select_n3A_176], %broadcast_in_dim3A_13 {add = true} : memref<10112xf32, #tpu.memory_space<vmem>>[vector<16xi32>], vector<16xf32>,
        %get3A_179 = arith.constant 112 : index
        %get3A_180 = tpu.vector_load %arg7[%get3A_179] {strides = array<i32>} : memref<128xi32, #tpu.memory_space<vmem>>, vector<16xi32>,
        %get3A_181 = arith.constant 112 : index
        %get3A_182 = tpu.vector_load %arg9[%get3A_181] {strides = array<i32>} : memref<128xi32, #tpu.memory_space<vmem>>, vector<16xi32>,
        %ne3A_183 = arith.cmpi ne, %get3A_180, %get3A_182 : vector<16xi32>
        %select_n3A_184 = arith.select %ne3A_183, %get3A_180, %broadcast_in_dim3A_15 : vector<16xi1>, vector<16xi32>
        %swap3A_185 = arith.constant 112 : index
        %swap3A_186 = tpu.vector_load %arg11[%swap3A_185] {strides = array<i32>} : memref<128xi32, #tpu.memory_space<vmem>>, vector<16xi32>,
        tpu.vector_store %arg11[%swap3A_185], %select_n3A_184 {strides = array<i32>} : memref<128xi32, #tpu.memory_space<vmem>>, vector<16xi32>,
        tpu.vector_store_idx %arg14[%select_n3A_184], %broadcast_in_dim3A_13 {add = true} : memref<10112xf32, #tpu.memory_space<vmem>>[vector<16xi32>], vector<16xf32>,
        %dma_wait3A_187 = arith.constant 0 : i32
        %dma_wait3A_188 = arith.constant 0 : i32
        %dma_wait3A_189 = tpu.memref_slice %arg2[%dma_wait3A_187, %dma_wait3A_188] : memref<10000x128xf32, #tpu.memory_space<hbm>> -> memref<10000x128xf32, #tpu.memory_space<hbm>>
        tpu.wait_indirect_dma semaphore(%arg19 : memref<!tpu.dma_semaphore, #tpu.memory_space<semaphore_mem>>) src(%dma_wait3A_189 : memref<10000x128xf32, #tpu.memory_space<hbm>>) dst(%arg13 : memref<128x128xf32, #tpu.memory_space<vmem>>)
        %add3A_190 = arith.constant 2 : i32
        %add3A_191 = arith.addi %while3A_88, %add3A_190 : i32
        %lt3A_192 = arith.cmpi slt, %add3A_191, %add3A_4 : i32
        %convert_element_type3A_193 = arith.extui %lt3A_192 : i1 to i32
        %cond3A_194 = arith.constant 0 : i32
        %cond3A_195 = arith.cmpi ne, %convert_element_type3A_193, %cond3A_194 : i32
        scf.if %cond3A_195 {
          %add3A_202 = arith.constant 2 : i32
          %add3A_203 = arith.addi %while3A_88, %add3A_202 : i32
          %mul3A_204 = arith.constant 128 : i32
          %mul3A_205 = arith.muli %add3A_203, %mul3A_204 : i32
          %add3A_206 = arith.addi %mul3A_10, %mul3A_205 : i32
          %dma_start3A_207 = arith.constant 0 : i32
          %dma_start3A_208 = tpu.memref_slice %arg3[%dma_start3A_207, %add3A_206] : memref<2x320000xi32, #tpu.memory_space<hbm>> -> memref<1x128xi32, #tpu.memory_space<hbm>>
          %dma_start3A_209 = tpu.memref_squeeze %dma_start3A_208 : memref<1x128xi32, #tpu.memory_space<hbm>> -> memref<128xi32, #tpu.memory_space<hbm>>
          %dma_start3A_210 = tpu.memref_slice %arg3[%dma_start3A_207, %add3A_206] : memref<2x320000xi32, #tpu.memory_space<hbm>> -> memref<1x128xi32, #tpu.memory_space<hbm>>
          %dma_start3A_211 = tpu.memref_squeeze %dma_start3A_210 : memref<1x128xi32, #tpu.memory_space<hbm>> -> memref<128xi32, #tpu.memory_space<hbm>>
          tpu.enqueue_dma source(%dma_start3A_211 : memref<128xi32, #tpu.memory_space<hbm>>) target(%arg7 : memref<128xi32, #tpu.memory_space<vmem>>) target_semaphore(%arg17 : memref<!tpu.dma_semaphore, #tpu.memory_space<semaphore_mem>>)
          %dma_start3A_212 = arith.constant 1 : i32
          %dma_start3A_213 = tpu.memref_slice %arg3[%dma_start3A_212, %add3A_206] : memref<2x320000xi32, #tpu.memory_space<hbm>> -> memref<1x128xi32, #tpu.memory_space<hbm>>
          %dma_start3A_214 = tpu.memref_squeeze %dma_start3A_213 : memref<1x128xi32, #tpu.memory_space<hbm>> -> memref<128xi32, #tpu.memory_space<hbm>>
          %dma_start3A_215 = tpu.memref_slice %arg3[%dma_start3A_212, %add3A_206] : memref<2x320000xi32, #tpu.memory_space<hbm>> -> memref<1x128xi32, #tpu.memory_space<hbm>>
          %dma_start3A_216 = tpu.memref_squeeze %dma_start3A_215 : memref<1x128xi32, #tpu.memory_space<hbm>> -> memref<128xi32, #tpu.memory_space<hbm>>
          tpu.enqueue_dma source(%dma_start3A_216 : memref<128xi32, #tpu.memory_space<hbm>>) target(%arg9 : memref<128xi32, #tpu.memory_space<vmem>>) target_semaphore(%arg17 : memref<!tpu.dma_semaphore, #tpu.memory_space<semaphore_mem>>)
        } else {
        }
        %add3A_196 = arith.constant 1 : i32
        %add3A_197 = arith.addi %while3A_88, %add3A_196 : i32
        %lt3A_198 = arith.cmpi slt, %add3A_197, %add3A_4 : i32
        %convert_element_type3A_199 = arith.extui %lt3A_198 : i1 to i32
        %cond3A_200 = arith.constant 0 : i32
        %cond3A_201 = arith.cmpi ne, %convert_element_type3A_199, %cond3A_200 : i32
        scf.if %cond3A_201 {
          %dma_wait3A_202 = arith.constant 0 : i32
          %dma_wait3A_203 = arith.constant 0 : i32
          %dma_wait3A_204 = tpu.memref_slice %arg3[%dma_wait3A_202, %dma_wait3A_203] : memref<2x320000xi32, #tpu.memory_space<hbm>> -> memref<1x128xi32, #tpu.memory_space<hbm>>
          %dma_wait3A_205 = tpu.memref_squeeze %dma_wait3A_204 : memref<1x128xi32, #tpu.memory_space<hbm>> -> memref<128xi32, #tpu.memory_space<hbm>>
          %dma_wait3A_206 = arith.constant 0 : i32
          %dma_wait3A_207 = tpu.memref_slice %arg3[%dma_wait3A_202, %dma_wait3A_206] : memref<2x320000xi32, #tpu.memory_space<hbm>> -> memref<1x128xi32, #tpu.memory_space<hbm>>
          %dma_wait3A_208 = tpu.memref_squeeze %dma_wait3A_207 : memref<1x128xi32, #tpu.memory_space<hbm>> -> memref<128xi32, #tpu.memory_space<hbm>>
          tpu.wait_dma2 semaphore(%arg16 : memref<!tpu.dma_semaphore, #tpu.memory_space<semaphore_mem>>) src(%dma_wait3A_208 : memref<128xi32, #tpu.memory_space<hbm>>) dst(%arg6 : memref<128xi32, #tpu.memory_space<vmem>>)
          %dma_wait3A_209 = arith.constant 1 : i32
          %dma_wait3A_210 = arith.constant 0 : i32
          %dma_wait3A_211 = tpu.memref_slice %arg3[%dma_wait3A_209, %dma_wait3A_210] : memref<2x320000xi32, #tpu.memory_space<hbm>> -> memref<1x128xi32, #tpu.memory_space<hbm>>
          %dma_wait3A_212 = tpu.memref_squeeze %dma_wait3A_211 : memref<1x128xi32, #tpu.memory_space<hbm>> -> memref<128xi32, #tpu.memory_space<hbm>>
          %dma_wait3A_213 = arith.constant 0 : i32
          %dma_wait3A_214 = tpu.memref_slice %arg3[%dma_wait3A_209, %dma_wait3A_213] : memref<2x320000xi32, #tpu.memory_space<hbm>> -> memref<1x128xi32, #tpu.memory_space<hbm>>
          %dma_wait3A_215 = tpu.memref_squeeze %dma_wait3A_214 : memref<1x128xi32, #tpu.memory_space<hbm>> -> memref<128xi32, #tpu.memory_space<hbm>>
          tpu.wait_dma2 semaphore(%arg16 : memref<!tpu.dma_semaphore, #tpu.memory_space<semaphore_mem>>) src(%dma_wait3A_215 : memref<128xi32, #tpu.memory_space<hbm>>) dst(%arg8 : memref<128xi32, #tpu.memory_space<vmem>>)
          %dma_start3A_216 = arith.constant 0 : i32
          %dma_start3A_217 = arith.constant 0 : i32
          %dma_start3A_218 = tpu.memref_slice %arg2[%dma_start3A_216, %dma_start3A_217] : memref<10000x128xf32, #tpu.memory_space<hbm>> -> memref<10000x128xf32, #tpu.memory_space<hbm>>
          tpu.enqueue_indirect_dma source(%dma_start3A_218 : memref<10000x128xf32, #tpu.memory_space<hbm>>) target(%arg12 : memref<128x128xf32, #tpu.memory_space<vmem>>) offsets(%arg8 : memref<128xi32, #tpu.memory_space<vmem>>) semaphore(%arg18 : memref<!tpu.dma_semaphore, #tpu.memory_space<semaphore_mem>>)
        } else {
        }
        "tpu.region"() ({
          %run_scoped3A = tpu.sem_alloc : memref<!tpu.dma_semaphore, #tpu.memory_space<semaphore_mem>>
          %dma_start3A_202 = arith.constant 0 : i32
          %dma_start3A_203 = arith.constant 0 : i32
          %dma_start3A_204 = tpu.memref_slice %arg15[%dma_start3A_202, %dma_start3A_203] : memref<10112x128xf32, #tpu.memory_space<vmem_shared>> -> memref<10112x128xf32, #tpu.memory_space<vmem_shared>>
          tpu.enqueue_indirect_dma source(%arg13 : memref<128x128xf32, #tpu.memory_space<vmem>>) target(%dma_start3A_204 : memref<10112x128xf32, #tpu.memory_space<vmem_shared>>) offsets(%arg11 : memref<128xi32, #tpu.memory_space<vmem>>) semaphore(%run_scoped3A : memref<!tpu.dma_semaphore, #tpu.memory_space<semaphore_mem>>) {add = true}
          %dma_wait3A_205 = arith.constant 0 : i32
          %dma_wait3A_206 = arith.constant 0 : i32
          %dma_wait3A_207 = tpu.memref_slice %arg15[%dma_wait3A_205, %dma_wait3A_206] : memref<10112x128xf32, #tpu.memory_space<vmem_shared>> -> memref<10112x128xf32, #tpu.memory_space<vmem_shared>>
          tpu.wait_indirect_dma semaphore(%run_scoped3A : memref<!tpu.dma_semaphore, #tpu.memory_space<semaphore_mem>>) src(%arg13 : memref<128x128xf32, #tpu.memory_space<vmem>>) dst(%dma_wait3A_207 : memref<10112x128xf32, #tpu.memory_space<vmem_shared>>)
          tpu.yield
        }) : () -> ()
      } else {
      }
    }
    %barrier3A_87 = arith.constant 0 : index
    tpu.barrier barrier_id(%barrier3A_87)
    "tpu.region"() ({
      %run_scoped3A = tpu.sem_alloc : memref<!tpu.dma_semaphore, #tpu.memory_space<semaphore_mem>>
      %dma_start3A_88 = arith.constant 0 : i32
      %dma_start3A_89 = tpu.memref_slice %arg4[%arg0, %mul3A_51, %dma_start3A_88] : memref<2x10112x128xf32, #tpu.memory_space<hbm>> -> memref<1x632x128xf32, #tpu.memory_space<hbm>>
      %dma_start3A_90 = tpu.memref_squeeze %dma_start3A_89 : memref<1x632x128xf32, #tpu.memory_space<hbm>> -> memref<632x128xf32, #tpu.memory_space<hbm>>
      %dma_start3A_91 = arith.constant 0 : i32
      %dma_start3A_92 = tpu.memref_slice %arg15[%mul3A_51, %dma_start3A_91] : memref<10112x128xf32, #tpu.memory_space<vmem_shared>> -> memref<632x128xf32, #tpu.memory_space<vmem_shared>>
      tpu.enqueue_dma source(%dma_start3A_92 : memref<632x128xf32, #tpu.memory_space<vmem_shared>>) target(%dma_start3A_90 : memref<632x128xf32, #tpu.memory_space<hbm>>) target_semaphore(%run_scoped3A : memref<!tpu.dma_semaphore, #tpu.memory_space<semaphore_mem>>)
      %dma_wait3A_93 = arith.constant 0 : i32
      %dma_wait3A_94 = tpu.memref_slice %arg4[%arg0, %mul3A_51, %dma_wait3A_93] : memref<2x10112x128xf32, #tpu.memory_space<hbm>> -> memref<1x632x128xf32, #tpu.memory_space<hbm>>
      %dma_wait3A_95 = tpu.memref_squeeze %dma_wait3A_94 : memref<1x632x128xf32, #tpu.memory_space<hbm>> -> memref<632x128xf32, #tpu.memory_space<hbm>>
      %dma_wait3A_96 = arith.constant 0 : i32
      %dma_wait3A_97 = tpu.memref_slice %arg15[%mul3A_51, %dma_wait3A_96] : memref<10112x128xf32, #tpu.memory_space<vmem_shared>> -> memref<632x128xf32, #tpu.memory_space<vmem_shared>>
      tpu.wait_dma2 semaphore(%run_scoped3A : memref<!tpu.dma_semaphore, #tpu.memory_space<semaphore_mem>>) src(%dma_wait3A_97 : memref<632x128xf32, #tpu.memory_space<vmem_shared>>) dst(%dma_wait3A_95 : memref<632x128xf32, #tpu.memory_space<hbm>>)
      tpu.yield
    }) : () -> ()
    "tpu.region"() ({
      %run_scoped3A = tpu.sem_alloc : memref<!tpu.dma_semaphore, #tpu.memory_space<semaphore_mem>>
      %dma_start3A_88 = arith.constant 0 : i32
      %dma_start3A_89 = tpu.memref_slice %arg5[%add3A, %dma_start3A_88] : memref<32x10112xf32, #tpu.memory_space<hbm>> -> memref<1x10112xf32, #tpu.memory_space<hbm>>
      %dma_start3A_90 = tpu.memref_squeeze %dma_start3A_89 : memref<1x10112xf32, #tpu.memory_space<hbm>> -> memref<10112xf32, #tpu.memory_space<hbm>>
      %dma_start3A_91 = arith.constant 0 : i32
      %dma_start3A_92 = tpu.memref_slice %arg5[%add3A, %dma_start3A_91] : memref<32x10112xf32, #tpu.memory_space<hbm>> -> memref<1x10112xf32, #tpu.memory_space<hbm>>
      %dma_start3A_93 = tpu.memref_squeeze %dma_start3A_92 : memref<1x10112xf32, #tpu.memory_space<hbm>> -> memref<10112xf32, #tpu.memory_space<hbm>>
      tpu.enqueue_dma source(%arg14 : memref<10112xf32, #tpu.memory_space<vmem>>) target(%dma_start3A_93 : memref<10112xf32, #tpu.memory_space<hbm>>) target_semaphore(%run_scoped3A : memref<!tpu.dma_semaphore, #tpu.memory_space<semaphore_mem>>)
      %dma_wait3A_94 = arith.constant 0 : i32
      %dma_wait3A_95 = tpu.memref_slice %arg5[%add3A, %dma_wait3A_94] : memref<32x10112xf32, #tpu.memory_space<hbm>> -> memref<1x10112xf32, #tpu.memory_space<hbm>>
      %dma_wait3A_96 = tpu.memref_squeeze %dma_wait3A_95 : memref<1x10112xf32, #tpu.memory_space<hbm>> -> memref<10112xf32, #tpu.memory_space<hbm>>
      %dma_wait3A_97 = arith.constant 0 : i32
      %dma_wait3A_98 = tpu.memref_slice %arg5[%add3A, %dma_wait3A_97] : memref<32x10112xf32, #tpu.memory_space<hbm>> -> memref<1x10112xf32, #tpu.memory_space<hbm>>
      %dma_wait3A_99 = tpu.memref_squeeze %dma_wait3A_98 : memref<1x10112xf32, #tpu.memory_space<hbm>> -> memref<10112xf32, #tpu.memory_space<hbm>>
      tpu.wait_dma2 semaphore(%run_scoped3A : memref<!tpu.dma_semaphore, #tpu.memory_space<semaphore_mem>>) src(%arg14 : memref<10112xf32, #tpu.memory_space<vmem>>) dst(%dma_wait3A_99 : memref<10112xf32, #tpu.memory_space<hbm>>)
      tpu.yield
    }) : () -> ()
    return
  }
}

module attributes {stable_mosaic.version = 14 : i64} {
  func.func @_combine_body(%arg0: i32, %arg1: memref<2048x128xf32, #tpu.memory_space<vmem>>, %arg2: memref<128x128xf32, #tpu.memory_space<vmem>>, %arg3: memref<128x128xf32, #tpu.memory_space<vmem>>, %arg4: memref<1x128xf32, #tpu.memory_space<vmem>>, %arg5: memref<128x128xf32, #tpu.memory_space<vmem>>, %arg6: memref<1x128xf32, #tpu.memory_space<vmem>>, %arg7: memref<2x2048x128xf32, #tpu.memory_space<vmem>>, %arg8: memref<32x2048xf32, #tpu.memory_space<vmem>>, %arg9: memref<2048x128xf32, #tpu.memory_space<vmem>>) attributes {dimension_semantics = [#tpu.dimension_semantics<arbitrary>], iteration_bounds = array<i64: 5>, scalar_prefetch = 0 : i64, scratch_operands = 0 : i64, tpu.core_type = #tpu.core_type<tc>, window_params = [{transform_indices = @transform_0, window_bounds = array<i64: 2048, 128>}, {pipeline_mode = #tpu.pipeline_mode<synchronous>, transform_indices = @transform_1, window_bounds = array<i64: 128, 128>}, {pipeline_mode = #tpu.pipeline_mode<synchronous>, transform_indices = @transform_2, window_bounds = array<i64: 128, 128>}, {pipeline_mode = #tpu.pipeline_mode<synchronous>, transform_indices = @transform_3, window_bounds = array<i64: 1, 128>}, {pipeline_mode = #tpu.pipeline_mode<synchronous>, transform_indices = @transform_4, window_bounds = array<i64: 128, 128>}, {pipeline_mode = #tpu.pipeline_mode<synchronous>, transform_indices = @transform_5, window_bounds = array<i64: 1, 128>}, {transform_indices = @transform_6, window_bounds = array<i64: 2, 2048, 128>}, {transform_indices = @transform_7, window_bounds = array<i64: 32, 2048>}, {transform_indices = @transform_8, window_bounds = array<i64: 2048, 128>}]} {
    %get3A = arith.constant 0 : index
    %get3A_0 = arith.constant 0 : index
    %get3A_1 = vector.load %arg1[%get3A, %get3A_0] : memref<2048x128xf32, #tpu.memory_space<vmem>>, vector<2048x128xf32>
    %get3A_2 = arith.constant 0 : index
    %get3A_3 = arith.constant 0 : index
    %get3A_4 = vector.load %arg3[%get3A_2, %get3A_3] : memref<128x128xf32, #tpu.memory_space<vmem>>, vector<128x128xf32>
    %dot_general3A = arith.constant dense<0.000000e+00> : vector<2048x128xf32>
    %dot_general3A_5 = tpu.matmul %get3A_1, %get3A_4, %dot_general3A {dimension_numbers = #tpu.dot_dimension_numbers<[1], [0], [0], [1], [0, 0, 1, 1], [], []>, transpose_lhs_hint = false} : vector<2048x128xf32>, vector<128x128xf32>, vector<2048x128xf32> -> vector<2048x128xf32>
    %get3A_6 = arith.constant 0 : index
    %get3A_7 = arith.constant 0 : index
    %get3A_8 = vector.load %arg4[%get3A_6, %get3A_7] : memref<1x128xf32, #tpu.memory_space<vmem>>, vector<1x128xf32>
    %add3A = vector.broadcast %get3A_8 : vector<1x128xf32> to vector<2048x128xf32>
    %add3A_9 = arith.addf %dot_general3A_5, %add3A : vector<2048x128xf32>
    %get3A_10 = arith.constant 0 : index
    %get3A_11 = arith.constant 0 : index
    %get3A_12 = vector.load %arg5[%get3A_10, %get3A_11] : memref<128x128xf32, #tpu.memory_space<vmem>>, vector<128x128xf32>
    %dot_general3A_13 = arith.constant dense<0.000000e+00> : vector<2048x128xf32>
    %dot_general3A_14 = tpu.matmul %get3A_1, %get3A_12, %dot_general3A_13 {dimension_numbers = #tpu.dot_dimension_numbers<[1], [0], [0], [1], [0, 0, 1, 1], [], []>, transpose_lhs_hint = false} : vector<2048x128xf32>, vector<128x128xf32>, vector<2048x128xf32> -> vector<2048x128xf32>
    %get3A_15 = arith.constant 0 : index
    %get3A_16 = arith.constant 0 : index
    %get3A_17 = vector.load %arg6[%get3A_15, %get3A_16] : memref<1x128xf32, #tpu.memory_space<vmem>>, vector<1x128xf32>
    %add3A_18 = vector.broadcast %get3A_17 : vector<1x128xf32> to vector<2048x128xf32>
    %add3A_19 = arith.addf %dot_general3A_14, %add3A_18 : vector<2048x128xf32>
    %get3A_20 = arith.constant 0 : index
    %get3A_21 = arith.constant 0 : index
    %get3A_22 = arith.constant 0 : index
    %get3A_23 = vector.load %arg7[%get3A_20, %get3A_21, %get3A_22] : memref<2x2048x128xf32, #tpu.memory_space<vmem>>, vector<1x2048x128xf32>
    %get3A_24 = vector.shape_cast %get3A_23 : vector<1x2048x128xf32> to vector<2048x128xf32>
    %get3A_25 = arith.constant 1 : index
    %get3A_26 = arith.constant 0 : index
    %get3A_27 = arith.constant 0 : index
    %get3A_28 = vector.load %arg7[%get3A_25, %get3A_26, %get3A_27] : memref<2x2048x128xf32, #tpu.memory_space<vmem>>, vector<1x2048x128xf32>
    %get3A_29 = vector.shape_cast %get3A_28 : vector<1x2048x128xf32> to vector<2048x128xf32>
    %add3A_30 = arith.addf %get3A_24, %get3A_29 : vector<2048x128xf32>
    %get3A_31 = arith.constant 0 : index
    %get3A_32 = arith.constant 0 : index
    %get3A_33 = vector.load %arg2[%get3A_31, %get3A_32] : memref<128x128xf32, #tpu.memory_space<vmem>>, vector<128x128xf32>
    %dot_general3A_34 = arith.constant dense<0.000000e+00> : vector<2048x128xf32>
    %dot_general3A_35 = tpu.matmul %add3A_30, %get3A_33, %dot_general3A_34 {dimension_numbers = #tpu.dot_dimension_numbers<[1], [0], [0], [1], [0, 0, 1, 1], [], []>, transpose_lhs_hint = false} : vector<2048x128xf32>, vector<128x128xf32>, vector<2048x128xf32> -> vector<2048x128xf32>
    %get3A_36 = arith.constant 0 : index
    %get3A_37 = arith.constant 0 : index
    %get3A_38 = vector.load %arg8[%get3A_36, %get3A_37] : memref<32x2048xf32, #tpu.memory_space<vmem>>, vector<32x2048xf32>
    %reduce_sum3A = arith.constant dense<0.000000e+00> : vector<2048xf32>
    %reduce_sum3A_39 = vector.multi_reduction <add>, %get3A_38, %reduce_sum3A [0] : vector<32x2048xf32> to vector<2048xf32>
    %broadcast_in_dim3A = vector.shape_cast %reduce_sum3A_39 : vector<2048xf32> to vector<2048x1xf32>
    %mul3A = vector.broadcast %broadcast_in_dim3A : vector<2048x1xf32> to vector<2048x128xf32>
    %mul3A_40 = arith.mulf %mul3A, %add3A_9 : vector<2048x128xf32>
    %add3A_41 = arith.addf %mul3A_40, %dot_general3A_35 : vector<2048x128xf32>
    %add3A_42 = arith.addf %add3A_41, %add3A_19 : vector<2048x128xf32>
    %swap3A = arith.constant 0 : index
    %swap3A_43 = arith.constant 0 : index
    %swap3A_44 = vector.load %arg9[%swap3A, %swap3A_43] : memref<2048x128xf32, #tpu.memory_space<vmem>>, vector<2048x128xf32>
    tpu.vector_store %arg9[%swap3A, %swap3A_43], %add3A_42 {strides = array<i32>} : memref<2048x128xf32, #tpu.memory_space<vmem>>, vector<2048x128xf32>,
    return
  }
  func.func @transform_0(%arg0: i32) -> (i32, i32) {
    %c0_i32 = arith.constant 0 : i32
    %c0_i32_0 = arith.constant 0 : i32
    return %arg0, %c0_i32 : i32, i32
  }
  func.func @transform_1(%arg0: i32) -> (i32, i32) {
    %c0_i32 = arith.constant 0 : i32
    %c0_i32_0 = arith.constant 0 : i32
    %c0_i32_1 = arith.constant 0 : i32
    return %c0_i32, %c0_i32_0 : i32, i32
  }
  func.func @transform_2(%arg0: i32) -> (i32, i32) {
    %c0_i32 = arith.constant 0 : i32
    %c0_i32_0 = arith.constant 0 : i32
    %c0_i32_1 = arith.constant 0 : i32
    return %c0_i32, %c0_i32_0 : i32, i32
  }
  func.func @transform_3(%arg0: i32) -> (i32, i32) {
    %c0_i32 = arith.constant 0 : i32
    %c0_i32_0 = arith.constant 0 : i32
    %c0_i32_1 = arith.constant 0 : i32
    return %c0_i32, %c0_i32_0 : i32, i32
  }
  func.func @transform_4(%arg0: i32) -> (i32, i32) {
    %c0_i32 = arith.constant 0 : i32
    %c0_i32_0 = arith.constant 0 : i32
    %c0_i32_1 = arith.constant 0 : i32
    return %c0_i32, %c0_i32_0 : i32, i32
  }
  func.func @transform_5(%arg0: i32) -> (i32, i32) {
    %c0_i32 = arith.constant 0 : i32
    %c0_i32_0 = arith.constant 0 : i32
    %c0_i32_1 = arith.constant 0 : i32
    return %c0_i32, %c0_i32_0 : i32, i32
  }
  func.func @transform_6(%arg0: i32) -> (i32, i32, i32) {
    %c0_i32 = arith.constant 0 : i32
    %c0_i32_0 = arith.constant 0 : i32
    %c0_i32_1 = arith.constant 0 : i32
    return %c0_i32, %arg0, %c0_i32_0 : i32, i32, i32
  }
  func.func @transform_7(%arg0: i32) -> (i32, i32) {
    %c0_i32 = arith.constant 0 : i32
    %c0_i32_0 = arith.constant 0 : i32
    return %c0_i32, %arg0 : i32, i32
  }
  func.func @transform_8(%arg0: i32) -> (i32, i32) {
    %c0_i32 = arith.constant 0 : i32
    %c0_i32_0 = arith.constant 0 : i32
    return %arg0, %c0_i32 : i32, i32
  }
}

</mosaic_0001>

<sc_bundles>
// kernel: kernel.4.cloned.1.call-start
scs
__scs_entry_jumppad:
0x0: {  	(pc) =	sbr.rel $0x88, $3  }
0x1: {  	(tag) =	ssettag $0x0;
	lr =	simm.s32 $0x1  }
0x2: {  	[smem:$0x3F9A] =	sst lr;
	_ =	strace $0xD0000000  }
0x3: {  	_ = 	snop  }
0x4: {  	_ = 	snop  }
0x5: {  	_ = 	snop  }
0x6: {  	_ = 	snop  }
0x7: {  	_ = 	snop  }
__scs_overlays_trampoline_lowered:
0x8: {  	[smem:$0x3FA9] =	sst s0  }
0x9: {  	[smem:$0x3FAA] =	sst s1  }
0xa: {  	[smem:$0x3FAB] =	sst s2  }
0xb: {  	[smem:$0x3FAC] =	sst s3  }
0xc: {  	[smem:$0x3FAD] =	sst s4  }
0xd: {  	[smem:$0x3FAE] =	sst s5  }
0xe: {  	[smem:$0x3FAF] =	sst s6  }
0xf: {  	[smem:$0x3FB0] =	sst s7  }
0x10: {  	[smem:$0x3FB1] =	sst s8  }
0x11: {  	[smem:$0x3FB2] =	sst s9;
	s0 =	simm.s32 @!p0 $0x0  }
0x12: {  	s1 =	sld [smem:$0x3F98];
	s0 =	simm.s32 @p0 $0x1  }
0x13: {  	[smem:$0x3FB3] =	sst s0;
	s0 =	simm.s32 @!p1 $0x0  }
0x14: {  	s2 =	sld [smem:$0x3F97];
	s0 =	simm.s32 @p1 $0x1  }
0x15: {  	[smem:$0x3FB4] =	sst s0;
	s0 =	simm.s32 @!p2 $0x0  }
0x16: {  	s3 =	sld [smem:$0x3FDB];
	s0 =	simm.s32 @p2 $0x1  }
0x17: {  	s4 =	simm.s32 $0x1BF5;
	[smem:$0x3FB6] =	sst s0  }
0x18: {  	s0 =	sld [smem:$0x3F99];
	_ =	swait.ge [sflag:s4], $0x0  }
0x19: {  	s7 =	sld [smem:$0x3F9A]  }
0x1a: {  	s8 =	sadd.s32 $0xFFFFE003, lr  }
0x1b: {  	s9 =	sadd.s32 $0xFFFFFEF7, lr;
	s5 =	simm.s32 $0xFFFFFFFF;
	p2 =	slt.u32 s8, $0xFFFFF086  }
0x1c: {  	p1 =	slt.u32 s9, $0xF7A;
	s5 =	simm.s32 @!p2 $0x0  }
0x1d: {  	s5 =	simm.s32 @p1 $0x1;
	p0 =	seq.s32 s7, s2  }
0x1e: {  	s7 =	smul.u32 @!p0 $0xF7A, s2;
	p2 =	seq.s32 @!p0 s5, $0x0  }
0x1f: {  	s9 =	smul.u32 $0xF7A, s1;
	s8 =	simm.s32 @!p0 $0x1BF5;
	p2 =	por !p2, p0  }
0x20: {  	[sflag:s8] =	ssyncset.s32 @!p0 $0xFFFFF086;
	s6 =	sadd.s32 @!p0 s3, s7;
	s7 =	simm.s32 @!p0 $0x108  }
0x21: {  	s3 =	sadd.s32 s3, s9;
	s6 =	sadd.s32 @!p0 $0x88, s6;
	s7 =	simm.s32 @p2 $0x1082  }
0x22: {  	[simem:s7], [sflag:s8] =	dma.local @!p0 [hbm:s6], $0xF7A  }
0x23: {  	s9 =	sor.u32 $0xD0000000, s2;
	s6 =	simm.s32 $0x108;
	_ =	swait.ge @!p0 [sflag:s8], $0x0  }
0x24: {  	s3 =	sadd.s32 $0x88, s3;
	s6 =	simm.s32 @!p1 $0x1082;
	[sflag:s4] =	ssyncset.s32 $0xFFFFF086  }
0x25: {  	[simem:s6], [sflag:s4] =	dma.local [hbm:s3], $0xF7A  }
0x26: {  	[smem:$0x3F9A] =	sst s1;
	(tag) =	ssettag s2;
	_ =	strace s9  }
0x27: {  	s1 =	sld [smem:$0x3FAA]  }
0x28: {  	s2 =	sld [smem:$0x3FAB]  }
0x29: {  	s4 =	sld [smem:$0x3FAD]  }
0x2a: {  	p0 =	seq.s32 s5, $0x0;
	s5 =	sld [smem:$0x3FAE]  }
0x2b: {  	s6 =	sld [smem:$0x3FAF]  }
0x2c: {  	s7 =	sld [smem:$0x3FB0]  }
0x2d: {  	s3 =	simm.s32 $0x108;
	s8 =	sld [smem:$0x3FB1]  }
0x2e: {  	s3 =	simm.s32 @!p0 $0x1082;
	s9 =	sld [smem:$0x3FB2]  }
0x2f: {  	lr =	sadd.s32 s0, s3;
	s0 =	sld [smem:$0x3FA9]  }
0x30: {  	s3 =	sld [smem:$0x3FAC]  }
0x31: {  	[smem:$0x3FB5] =	sst s10  }
0x32: {  	s10 =	sld [smem:$0x3FB3];
	_ =	sdelay $0x3  }
0x33: {  	p0 =	seq.s32 s10, $0x1;
	s10 =	sld [smem:$0x3FB5];
	_ =	sdelay $0x3  }
0x34: {  	[smem:$0x3FB5] =	sst s10  }
0x35: {  	s10 =	sld [smem:$0x3FB4];
	_ =	sdelay $0x3  }
0x36: {  	p1 =	seq.s32 s10, $0x1;
	s10 =	sld [smem:$0x3FB5];
	_ =	sdelay $0x3  }
0x37: {  	[smem:$0x3FB5] =	sst s10  }
0x38: {  	s10 =	sld [smem:$0x3FB6]  }
0x39: {  	_ = 	snop;
	(pc) =	sbr.ind lr, $3  }
0x3a: {  	_ = 	snop  }
0x3b: {  	_ = 	snop  }
0x3c: {  	p2 =	seq.s32 s10, $0x1;
	s10 =	sld [smem:$0x3FB5]  }
0x3d: {  	_ =	shalt  }
0x3e: {  	_ =	shalt  }
0x3f: {  	_ =	shalt  }
0x40: {  	_ =	shalt  }
0x41: {  	_ =	shalt  }
0x42: {  	_ =	shalt  }
0x43: {  	_ =	shalt  }
0x44: {  	_ =	shalt  }
0x45: {  	_ =	shalt  }
0x46: {  	_ =	shalt  }
0x47: {  	_ =	shalt  }
0x48: {  	_ =	shalt  }
0x49: {  	_ =	shalt  }
0x4a: {  	_ =	shalt  }
0x4b: {  	_ =	shalt  }
0x4c: {  	_ =	shalt  }
0x4d: {  	_ =	shalt  }
0x4e: {  	_ =	shalt  }
0x4f: {  	_ =	shalt  }
0x50: {  	_ =	shalt  }
0x51: {  	_ =	shalt  }
0x52: {  	_ =	shalt  }
0x53: {  	_ =	shalt  }
0x54: {  	_ =	shalt  }
0x55: {  	_ =	shalt  }
0x56: {  	_ =	shalt  }
0x57: {  	_ =	shalt  }
0x58: {  	_ =	shalt  }
0x59: {  	_ =	shalt  }
0x5a: {  	_ =	shalt  }
0x5b: {  	_ =	shalt  }
0x5c: {  	_ =	shalt  }
0x5d: {  	_ =	shalt  }
0x5e: {  	_ =	shalt  }
0x5f: {  	_ =	shalt  }
0x60: {  	_ =	shalt  }
0x61: {  	_ =	shalt  }
0x62: {  	_ =	shalt  }
0x63: {  	_ =	shalt  }
0x64: {  	_ =	shalt  }
0x65: {  	_ =	shalt  }
0x66: {  	_ =	shalt  }
0x67: {  	_ =	shalt  }
0x68: {  	_ =	shalt  }
0x69: {  	_ =	shalt  }
0x6a: {  	_ =	shalt  }
0x6b: {  	_ =	shalt  }
0x6c: {  	_ =	shalt  }
0x6d: {  	_ =	shalt  }
0x6e: {  	_ =	shalt  }
0x6f: {  	_ =	shalt  }
0x70: {  	_ =	shalt  }
0x71: {  	_ =	shalt  }
0x72: {  	_ =	shalt  }
0x73: {  	_ =	shalt  }
0x74: {  	_ =	shalt  }
0x75: {  	_ =	shalt  }
0x76: {  	_ =	shalt  }
0x77: {  	_ =	shalt  }
0x78: {  	_ =	shalt  }
0x79: {  	_ =	shalt  }
0x7a: {  	_ =	shalt  }
0x7b: {  	_ =	shalt  }
0x7c: {  	_ =	shalt  }
0x7d: {  	_ =	shalt  }
0x7e: {  	_ =	shalt  }
0x7f: {  	_ =	shalt  }
0x80: {  	_ =	shalt  }
0x81: {  	_ =	shalt  }
0x82: {  	_ =	shalt  }
0x83: {  	_ =	shalt  }
0x84: {  	_ =	shalt  }
0x85: {  	_ =	shalt  }
0x86: {  	_ =	shalt  }
0x87: {  	_ =	shalt  }
.Lfunc_end0:
.L_simem_size_0:
called_computation_lowered:
.L_overlay_start_0:
0x88: {  	s2 =	sld [smem:$0x3FD9]  }
0x89: {  	s3 =	sld [smem:$0x3FFE];
	_ =	sdelay $0x1  }
0x8a: {  	s1 =	srdreg.scid  }
0x8b: {  	s0 =	sand.u32 $0x1, s1  }
0x8c: {  	s17 =	sshll.u32 s0, $0xA;
	s2 =	sadd.s32 s3, s2  }
0x8d: {  	s2 =	sadd.s32 s2, s17  }
0x8e: {  	[smem:$0x3FC1] =	sst s2  }
0x8f: {  	_ = 	snop  }
0x90: {  	s2 =	sld [smem:$0x3FC9]  }
0x91: {  	s18 =	sld [smem:$0x3FC8]  }
0x92: {  	s4 =	sld [smem:$0x3FD0];
	(tm) =	ssettm $0x1  }
0x93: {  	s5 =	sld [smem:$0x3FFB];
	_ =	sdelay $0x3  }
0x94: {  	_ =	strace s5  }
0x95: {  	s5 =	sld [smem:$0x3FFC];
	_ =	sdelay $0x3  }
0x96: {  	_ =	strace s5  }
0x97: {  	s5 =	sld [smem:$0x3FFD];
	_ =	sdelay $0x3  }
0x98: {  	_ =	strace s5  }
0x99: {  	_ =	strace $0x8FFFFFFF  }
0x9a: {  	s19 =	sld [smem:$0x3FDB];
	_ =	sdelay $0x1  }
0x9b: {  	s6 =	simm.s32 $_scs_section_size  }
0x9c: {  	s7 =	simm.s32 $_size__tile_overlayer_lowered;
	s8 =	simm.s32 $_tile_overlayer_lowered  }
0x9d: {  	s22 =	simm.s32 $0x1BFF;
	s21 =	sshll.u32 s8, $0x1;
	s5 =	sadd.s32 s6, s19  }
0x9e: {  	s9 =	simm.s32 $0x0;
	s20 =	sshll.u32 s7, $0x1;
	s7 =	sadd.s32 s21, s5  }
0x9f: {  	[timem:s9], [sflag:s22] =	dma.local [hbm:s7], s20  }
0xa0: {  	_ =	swait.ge [sflag:s22], s20  }
0xa1: {  	s6 =	ssub.s32 $0x0, s20;
	[sflag:s22] =	ssyncset.done $0x0  }
0xa2: {  	[sflag:s22] =	ssyncadd.s32 s6;
	_ =	sdelay $0x1  }
0xa3: {  	s23 =	simm.s32 $0x1B8B  }
0xa4: {  	_ =	swait.ge [sflag:s23], $0x1  }
0xa5: {  	[sflag:s23] =	ssyncset.done $0x0  }
0xa6: {  	s25 =	simm.s32 $0x1B8E;
	s24 =	sld [smem:$0x3FFE];
	[sflag:s23] =	ssyncadd.s32 $0xFFFFFFFF  }
0xa7: {  	s26 =	simm.s32 $execute0_lowered;
	[smem:$0x3FD2] =	sst s25  }
0xa8: {  	s7 =	sshll.u32 s26, $0x1;
	_ =	strace $0x80000046;
	[dreg:$0x1] =	wrdreg $0xFFFFFFFF  }
0xa9: {  	s28 =	simm.s32 $_size_execute0_lowered;
	s5 =	sadd.s32 s5, s7;
	[dreg:$0x0] =	wrdreg $0x0  }
0xaa: {  	s7 =	sshll.u32 s28, $0x1;
	[dreg:$0x2] =	wrdreg s5  }
0xab: {  	[dreg:$0x3] =	wrdreg s7  }
0xac: {  	[dreg:$0x4] =	wrdreg $0xC0  }
0xad: {  	_ =	task [dreg:s9], $0x5FFFF  }
0xae: {  	[dreg:$0x1] =	wrdreg $0xFFFFFFFF  }
0xaf: {  	[dreg:$0x0] =	wrdreg $0x60  }
0xb0: {  	[dreg:$0x2] =	wrdreg s2  }
0xb1: {  	[dreg:$0x3] =	wrdreg s18  }
0xb2: {  	[dreg:$0x4] =	wrdreg s24  }
0xb3: {  	[dreg:$0x5] =	wrdreg s4  }
0xb4: {  	[dreg:$0x6] =	wrdreg $0xAA800  }
0xb5: {  	[dreg:$0x7] =	wrdreg $0x9  }
0xb6: {  	_ =	task.clear_ibuf [dreg:s9], $0x8FFFF;
	_ =	strace $0x90000046  }
0xb7: {  	s29 =	simm.s32 $0x9;
	_ =	strace $0x80000048  }
0xb8: {  	_ =	swait.ge [sflag:s29], $0x1  }
0xb9: {  	[sflag:s29] =	ssyncadd.s32 $0xFFFFFFFF  }
0xba: {  	_ =	strace $0x90000048  }
0xbb: {  	_ =	sfence  }
0xbc: {  	s30 =	sld [smem:$0x0];
	_ =	sdelay $0x2  }
0xbd: {  	s31 =	sshll.u32 s1, $0xD;
	s1 =	sshrl.u32 s1, $0x2  }
0xbe: {  	s3 =	sand.u32 $0x4000, s31;
	s1 =	sadd.s32 s1, s30  }
0xbf: {  	s0 =	sor.u32 s3, s0;
	s1 =	sshll.u32 s1, $0x11  }
0xc0: {  	s0 =	sor.u32 s1, s0  }
0xc1: {  	s0 =	sadd.s32 $0x8F2B, s0  }
0xc2: {  	[sflag:s0] =	ssyncadd.remote.s32 $0x1  }
0xc3: {  	_ =	sfence.sel $0xFFFF  }
0xc4: {  	[dreg:$0x0] =	wrdreg $0xFFFFFFFF;
	(pc) =	sbr.abs _section_cstart, $3  }
0xc5: {  	[dreg:$0x1] =	wrdreg $0xFFFFFFFF  }
0xc6: {  	_ =	task.clear_ibuf [dreg:s9], $0x2FFFF;
	_ =	strace $0x9FFFFFFF  }
0xc7: {  	(tm) =	ssettm $0x7FFFFFFF  }
tec
execute0_lowered:
.L_overlay_start_1:
0x0: {  	(tag) =	ssettag $0x1  }
0x1: {  	s0 =	rddreg [dreg:$0x0]  }
0x2: {  	s1 =	rddreg [dreg:$0x1]  }
0x3: {  	s2 =	rddreg [dreg:$0x2]  }
0x4: {  	s3 =	srdreg.scid;
	s7 =	rddreg [dreg:$0x3]  }
0x5: {  	s19 =	stileid.u32;
	s4 =	simm.s32 $0x0;
	s20 =	simm.s32 $0x100  }
0x6: {  	s28 =	simm.s32 $0x8300;
	s29 =	simm.s32 $0x3;
	s6 =	smul.u32 $0x13C00, s19  }
0x7: {  	s8 =	sand.u32 $0x1, s3;
	s3 =	rddreg [dreg:$0x4];
	s11 =	smul.u32 $0x4F000, s19  }
0x8: {  	s30 =	simm.s32 $0x200;
	[smem:$0x7FF] =	sst s4;
	s15 =	smul.u32 $0x4E, s19  }
0x9: {  	s5 =	smul.u32 $0x13C000, s8;
	s21 =	sshll.u32 s8, $0x4;
	_ =	strace $0x80000047  }
0xa: {  	s22 =	ssub.s32 $0x2, s8;
	s8 =	smul.u32 $0x4E0, s8;
	s13 =	sor.u32 s19, s21  }
0xb: {  	s10 =	sshrl.u32 s22, $0x1;
	s23 =	sshrl.u32 s11, $0x2;
	s19 =	sshll.u32 s19, $0x7  }
0xc: {  	s21 =	simm.s32 $0x80;
	s5 =	sadd.s32 s6, s5;
	s9 =	smul.u32 $0x4E, s13  }
0xd: {  	p0 =	slt.u32 s13, $0x4;
	s16 =	smin.u32 s13, $0x4;
	s18 =	ssub.s32 s22, s10  }
0xe: {  	s14 =	sshrl.u32 s13, $0x3;
	s19 =	sand.u32 $0x380, s19;
	s8 =	sadd.s32 s15, s8  }
0xf: {  	s22 =	simm.s32 $0x0;
	s5 =	sshrl.u32 s5, $0x3;
	s17 =	smul.u32 $0x13C00, s14  }
0x10: {  	s8 =	sadd.s32 s16, s8;
	s18 =	smax.u32 s18, $0x1;
	s2 =	sadd.s32 s5, s2  }
0x11: {  	s5 =	simm.s32 $0x4F;
	s9 =	sadd.s32 s16, s9;
	s8 =	sshll.u32 s8, $0x5  }
0x12: {  	s5 =	simm.s32 @!p0 $0x4E;
	s9 =	sshll.u32 s9, $0x5;
	s17 =	sor.u32 s19, s17  }
0x13: {  	s16 =	sadd.s32 $0x1800, s2;
	s2 =	simm.s32 $0x4;
	s6 =	sadd.s32 s1, s9  }
0x14: {  	s1 =	sadd.s32 $0x10, s1;
	s15 =	sadd.s32 $0xFFFFFFFF, s5;
	s31 =	sshrl.u32 s17, $0x3  }
0x15: {  	s9 =	sadd.s32 s9, s1;
	s24 =	sadd.s32 $0x20, s6;
	s25 =	sadd.s32 $0x30, s6  }
0x16: {  	s17 =	sadd.s32 s7, s31;
	s1 =	sadd.s32 s1, s8;
	[dreg:$0x6] =	wrdreg s9  }
.Ltmp0:
0x17: {  	[dreg:$0x7] =	wrdreg s24;
	s9 =	sadd.s32 s23, s3;
	(pc) =	sbr.rel .LBB2_1-.Ltmp0, $4  }
0x18: {  	[dreg:$0x8] =	wrdreg s25;
	s7 =	sadd.s32 $0x40, s1;
	s23 =	simm.s32 $0x4300  }
0x19: {  	s24 =	simm.s32 $0x5;
	s25 =	simm.s32 $0x1;
	s1 =	simm.s32 $0x280  }
0x1a: {  	s26 =	sadd.s32 $0x4000, s9;
	s12 =	sadd.s32 $0x8000, s9;
	s13 =	sadd.s32 $0xC000, s9  }
0x1b: {  	v0 =	vimm.f32 $0.0e+00;
	v1 =	vimm.f32 $1.000000000e+00;
	s14 =	sadd.s32 $0x10000, s9;
	[dreg:$0x9] =	wrdreg s26;
	s26 =	simm.s32 $0x300  }
.LBB2_10:
0x1c: {  	s8 =	stileid.u32  }
0x1d: {  	s8 =	sshll.u32 s8, $0x6  }
0x1e: {  	[bflag:$0x0] =	sbarrier.arrive $0xFFFF;
	s10 =	sshrl.u32 s9, $0x3;
	s8 =	sor.u32 $0x1C05, s8  }
0x1f: {  	[hbm:s16], [sflag:s8] =	dma.local [spmem:s10], $0x2780  }
0x20: {  	s22 =	sadd.s32 $0x1, s22;
	_ =	swait.ge [sflag:s24], $0x2780  }
0x21: {  	p0 =	sne.s32 s22, s18;
	[sflag:s24] =	ssyncset.done $0x0  }
.Ltmp1:
0x22: {  	s31 =	simm.s32 $0x400;
	[sflag:s24] =	ssyncadd.s32 $0xFFFFD880;
	(pc) =	sbr.rel @!p0 .LBB2_11-.Ltmp1, $4  }
0x23: {  	[hbm4b:s17+s21] =	stream.strided.scatter [tilespmem:s28], [sflag:$0x5], $0x2780, s31, s21, $0x38;
	[tilespmem:$0x1E680] =	vst v63  }
0x24: {  	_ =	swait.ge [sflag:s24], $0x2780  }
0x25: {  	[sflag:s24] =	ssyncset.done $0x0  }
0x26: {  	[sflag:s24] =	ssyncadd.s32 $0xFFFFD880  }
.LBB2_1:
0x27: {  	[tilespmem:s4], [sflag:$0x1] =	stream.linear.gather [hbm4b:s6+s4], $0x80, $0x38;
	[tilespmem:$0x1E680] =	vst v63  }
0x28: {  	s8 =	rddreg [dreg:$0x6]  }
0x29: {  	[tilespmem:s20], [sflag:$0x1] =	stream.linear.gather [hbm4b:s8+s4], $0x80, $0x38;
	[tilespmem:$0x1E680] =	vst v63  }
0x2a: {  	s11 =	rddreg [dreg:$0x7]  }
0x2b: {  	[tilespmem:s21], [sflag:$0x2] =	stream.linear.gather [hbm4b:s11+s4], $0x80, $0x38;
	[tilespmem:$0x1E680] =	vst v63  }
0x2c: {  	s19 =	rddreg [dreg:$0x8];
	s10 =	simm.s32 $0x180  }
0x2d: {  	[tilespmem:s10], [sflag:$0x2] =	stream.linear.gather [hbm4b:s19+s4], $0x80, $0x38;
	[tilespmem:$0x1E680] =	vst v63  }
0x2e: {  	s31 =	simm.s32 $0x200;
	s19 =	simm.s32 $0x0  }
.LBB2_2:
0x2f: {  	p0 =	sne.s32 s31, $0xFE00;
	[tilespmem:s19+$0x4370] =	vst v0  }
0x30: {  	[tilespmem:s19+$0x4300] =	vst v0  }
0x31: {  	[tilespmem:s19+$0x4310] =	vst v0  }
.Ltmp2:
0x32: {  	[tilespmem:s19+$0x4320] =	vst v0;
	(pc) =	sbr.rel @p0 .LBB2_2-.Ltmp2, $4  }
0x33: {  	[tilespmem:s19+$0x4330] =	vst v0  }
0x34: {  	[tilespmem:s19+$0x4340] =	vst v0  }
0x35: {  	[tilespmem:s19+$0x4350] =	vst v0  }
0x36: {  	[tilespmem:s19+$0x4360] =	vst v0;
	s19 =	sshra.s32 s31, $0x2;
	s31 =	sadd.s32 $0x200, s31  }
0x37: {  	[tilespmem:s19+$0x4370] =	vst v0  }
0x38: {  	[tilespmem:s19+$0x4300] =	vst v0  }
0x39: {  	[tilespmem:s19+$0x4310] =	vst v0  }
0x3a: {  	[tilespmem:s19+$0x4320] =	vst v0  }
0x3b: {  	[tilespmem:s19+$0x4330] =	vst v0  }
0x3c: {  	[tilespmem:s19+$0x4340] =	vst v0  }
0x3d: {  	[tilespmem:s19+$0x4350] =	vst v0  }
0x3e: {  	[tilespmem:s19+$0x4360] =	vst v0;
	s19 =	simm.s32 $0x40;
	s31 =	simm.s32 $0x0  }
.LBB2_4:
0x3f: {  	p0 =	sne.s32 s19, $0x9DC0;
	[tilespmem:s31+$0x8300] =	vst v0;
	s8 =	smov.u32 s19;
	s19 =	sadd.s32 $0x40, s19  }
.Ltmp3:
0x40: {  	(pc) =	sbr.rel @p0 .LBB2_4-.Ltmp3, $2  }
0x41: {  	_ =	sdelay $0x2  }
0x42: {  	s31 =	sshra.s32 s8, $0x2  }
0x43: {  	[tilespmem:s31+$0x8300] =	vst v0  }
0x44: {  	[spmem:s9] =	stream.linear.scatter [tilespmem:s23], [sflag:$0x5], $0x4000, $0x38;
	[tilespmem:$0x1E680] =	vst v63  }
0x45: {  	_ =	swait.ge [sflag:s24], $0x4000  }
0x46: {  	[sflag:s24] =	ssyncset.done $0x0  }
0x47: {  	s8 =	rddreg [dreg:$0x9];
	[sflag:s24] =	ssyncadd.s32 $0xFFFFC000  }
0x48: {  	[spmem:s8] =	stream.linear.scatter [tilespmem:s23], [sflag:$0x5], $0x4000, $0x38;
	[tilespmem:$0x1E680] =	vst v63  }
0x49: {  	_ =	swait.ge [sflag:s24], $0x4000  }
0x4a: {  	[sflag:s24] =	ssyncset.done $0x0  }
0x4b: {  	[sflag:s24] =	ssyncadd.s32 $0xFFFFC000  }
0x4c: {  	[spmem:s12] =	stream.linear.scatter [tilespmem:s23], [sflag:$0x5], $0x4000, $0x38;
	[tilespmem:$0x1E680] =	vst v63  }
0x4d: {  	_ =	swait.ge [sflag:s24], $0x4000  }
0x4e: {  	[sflag:s24] =	ssyncset.done $0x0  }
0x4f: {  	[sflag:s24] =	ssyncadd.s32 $0xFFFFC000  }
0x50: {  	[spmem:s13] =	stream.linear.scatter [tilespmem:s23], [sflag:$0x5], $0x4000, $0x38;
	[tilespmem:$0x1E680] =	vst v63  }
0x51: {  	_ =	swait.ge [sflag:s24], $0x4000  }
0x52: {  	[sflag:s24] =	ssyncset.done $0x0  }
0x53: {  	[sflag:s24] =	ssyncadd.s32 $0xFFFFC000  }
0x54: {  	[spmem:s14] =	stream.linear.scatter [tilespmem:s23], [sflag:$0x5], $0x3C00, $0x38;
	[tilespmem:$0x1E680] =	vst v63  }
0x55: {  	_ =	swait.ge [sflag:s24], $0x3C00  }
0x56: {  	[sflag:s24] =	ssyncset.done $0x0  }
0x57: {  	[sflag:s24] =	ssyncadd.s32 $0xFFFFC400  }
0x58: {  	[bflag:$0x0] =	sbarrier.arrive $0xFFFF  }
0x59: {  	_ =	swait.ge [sflag:s25], $0x80  }
0x5a: {  	[sflag:s25] =	ssyncset.done $0x0  }
.Ltmp4:
0x5b: {  	[sflag:s25] =	ssyncadd.s32 $0xFFFFFF80;
	(pc) =	sbr.rel .LBB2_6-.Ltmp4, $4  }
0x5c: {  	_ =	swait.ge [sflag:s25], $0x80  }
0x5d: {  	[sflag:s25] =	ssyncset.done $0x0  }
0x5e: {  	s31 =	simm.s32 $0x0;
	s19 =	smov.u32 s7;
	[sflag:s25] =	ssyncadd.s32 $0xFFFFFF80  }
0x5f: {  	[tilespmem:s26], [sflag:$0x3] =	stream.indirect.gather [hbm4b:s0+s21], $0x80, s20, s21, $0xb8;
	[tilespmem:$0x1E680] =	vst v63  }
.LBB2_8:
0x60: {  	v2 =	vld [tilespmem:$0x80]  }
0x61: {  	v3 =	vld [tilespmem:$0x180];
	_ =	sdelay $0x4  }
0x62: {  	vm0 =	veq.s32 v2, v3  }
0x63: {  	v2 =	vsel vm0, $0x2710, v2;
	_ =	sdelay $0x3  }
0x64: {  	[tilespmem:$0x280] =	vst v2  }
0x65: {  	[tilespmem:v2+s28+$0x0] =	vst.idx.add.f32.msk $0xffff, v1  }
0x66: {  	v2 =	vld [tilespmem:$0x90]  }
0x67: {  	v3 =	vld [tilespmem:$0x190];
	_ =	sdelay $0x4  }
0x68: {  	vm9 =	veq.s32 v2, v3  }
0x69: {  	v2 =	vsel vm9, $0x2710, v2;
	_ =	sdelay $0x3  }
0x6a: {  	[tilespmem:$0x290] =	vst v2  }
0x6b: {  	[tilespmem:v2+s28+$0x0] =	vst.idx.add.f32.msk $0xffff, v1  }
0x6c: {  	v2 =	vld [tilespmem:$0xA0]  }
0x6d: {  	v3 =	vld [tilespmem:$0x1A0];
	_ =	sdelay $0x4  }
0x6e: {  	vm10 =	veq.s32 v2, v3  }
0x6f: {  	v2 =	vsel vm10, $0x2710, v2;
	_ =	sdelay $0x3  }
0x70: {  	[tilespmem:$0x2A0] =	vst v2  }
0x71: {  	[tilespmem:v2+s28+$0x0] =	vst.idx.add.f32.msk $0xffff, v1  }
0x72: {  	v2 =	vld [tilespmem:$0xB0]  }
0x73: {  	v3 =	vld [tilespmem:$0x1B0];
	_ =	sdelay $0x4  }
0x74: {  	vm11 =	veq.s32 v2, v3  }
0x75: {  	v2 =	vsel vm11, $0x2710, v2;
	_ =	sdelay $0x3  }
0x76: {  	[tilespmem:$0x2B0] =	vst v2  }
0x77: {  	[tilespmem:v2+s28+$0x0] =	vst.idx.add.f32.msk $0xffff, v1  }
0x78: {  	v2 =	vld [tilespmem:$0xC0]  }
0x79: {  	v3 =	vld [tilespmem:$0x1C0];
	_ =	sdelay $0x4  }
0x7a: {  	vm12 =	veq.s32 v2, v3  }
0x7b: {  	v2 =	vsel vm12, $0x2710, v2;
	_ =	sdelay $0x3  }
0x7c: {  	[tilespmem:$0x2C0] =	vst v2  }
0x7d: {  	[tilespmem:v2+s28+$0x0] =	vst.idx.add.f32.msk $0xffff, v1  }
0x7e: {  	v2 =	vld [tilespmem:$0xD0]  }
0x7f: {  	v3 =	vld [tilespmem:$0x1D0];
	_ =	sdelay $0x4  }
0x80: {  	vm13 =	veq.s32 v2, v3  }
0x81: {  	v2 =	vsel vm13, $0x2710, v2;
	_ =	sdelay $0x3  }
0x82: {  	[tilespmem:$0x2D0] =	vst v2  }
0x83: {  	[tilespmem:v2+s28+$0x0] =	vst.idx.add.f32.msk $0xffff, v1  }
0x84: {  	v2 =	vld [tilespmem:$0xE0]  }
0x85: {  	v3 =	vld [tilespmem:$0x1E0];
	_ =	sdelay $0x4  }
0x86: {  	vm14 =	veq.s32 v2, v3  }
0x87: {  	v2 =	vsel vm14, $0x2710, v2;
	_ =	sdelay $0x3  }
0x88: {  	[tilespmem:$0x2E0] =	vst v2  }
0x89: {  	[tilespmem:v2+s28+$0x0] =	vst.idx.add.f32.msk $0xffff, v1  }
0x8a: {  	v2 =	vld [tilespmem:$0xF0]  }
0x8b: {  	v3 =	vld [tilespmem:$0x1F0];
	_ =	sdelay $0x4  }
0x8c: {  	vm15 =	veq.s32 v2, v3  }
0x8d: {  	v2 =	vsel vm15, $0x2710, v2;
	_ =	sdelay $0x3  }
0x8e: {  	[tilespmem:$0x2F0] =	vst v2  }
0x8f: {  	s8 =	sadd.s32 $0x2, s31;
	[tilespmem:v2+s28+$0x0] =	vst.idx.add.f32.msk $0xffff, v1  }
0x90: {  	p0 =	sge.u32 s8, s5;
	_ =	swait.ge [sflag:s2], $0x4000  }
0x91: {  	s8 =	sadd.s32 @!p0 $0xFFFFFFF0, s19;
	[sflag:s2] =	ssyncset.done $0x0  }
0x92: {  	s10 =	simm.s32 @!p0 $0x0;
	s11 =	simm.s32 @!p0 $0x80;
	[sflag:s2] =	ssyncadd.s32 $0xFFFFC000  }
0x93: {  	[tilespmem:s11], [sflag:$0x2] =	stream.linear.gather @!p0 [hbm4b:s8+s10], $0x80, $0x38;
	[tilespmem:$0x1E680] =	vst v63  }
0x94: {  	s8 =	simm.s32 @!p0 $0x180  }
0x95: {  	[tilespmem:s8], [sflag:$0x2] =	stream.linear.gather @!p0 [hbm4b:s19+s10], $0x80, $0x38;
	[tilespmem:$0x1E680] =	vst v63  }
0x96: {  	p0 =	sge.u32 s31, s15  }
0x97: {  	s8 =	simm.s32 @!p0 $0x1  }
0x98: {  	_ =	swait.ge @!p0 [sflag:s8], $0x80  }
0x99: {  	[sflag:s8] =	ssyncset.done @!p0 $0x0  }
0x9a: {  	[sflag:s8] =	ssyncadd.s32 @!p0 $0xFFFFFF80  }
0x9b: {  	_ =	swait.ge @!p0 [sflag:s8], $0x80  }
0x9c: {  	s10 =	simm.s32 @!p0 $0x100;
	[sflag:s8] =	ssyncset.done @!p0 $0x0  }
0x9d: {  	s11 =	simm.s32 @!p0 $0x300;
	[sflag:s8] =	ssyncadd.s32 @!p0 $0xFFFFFF80;
	s8 =	simm.s32 @!p0 $0x80  }
0x9e: {  	[tilespmem:s11], [sflag:$0x3] =	stream.indirect.gather @!p0 [hbm4b:s0+s8], $0x80, s10, s8, $0xb8;
	[tilespmem:$0x1E680] =	vst v63  }
0x9f: {  	s8 =	simm.s32 $0x5  }
0xa0: {  	[spmem:s3] =	stream.indirect.scatter.add.f32 [tilespmem:s23], [sflag:$0x5], $0x80, s1, s21, $0xb8;
	[tilespmem:$0x1E680] =	vst v63  }
.LBB2_9:
0xa1: {  	s31 =	sadd.s32 $0x1, s31  }
0xa2: {  	p0 =	sne.s32 s5, s31  }
.Ltmp5:
0xa3: {  	_ = 	snop;
	(pc) =	sbr.rel @!p0 .LBB2_10-.Ltmp5, $4  }
0xa4: {  	_ = 	snop  }
0xa5: {  	_ =	swait.ge [sflag:s8], $0x4000  }
0xa6: {  	[sflag:s8] =	ssyncset.done $0x0  }
0xa7: {  	s19 =	sadd.s32 $0x20, s19;
	[sflag:s8] =	ssyncadd.s32 $0xFFFFC000  }
.LBB2_6:
0xa8: {  	s8 =	sand.u32 $0x1, s31  }
0xa9: {  	p0 =	seq.s32 s8, $0x1  }
.Ltmp6:
0xaa: {  	_ = 	snop;
	(pc) =	sbr.rel @p0 .LBB2_8-.Ltmp6, $1  }
0xab: {  	_ =	sdelay $0x3  }
0xac: {  	v2 =	vld [tilespmem:$0x0]  }
0xad: {  	v3 =	vld [tilespmem:$0x100];
	_ =	sdelay $0x4  }
0xae: {  	vm0 =	veq.s32 v2, v3  }
0xaf: {  	v2 =	vsel vm0, $0x2710, v2;
	_ =	sdelay $0x3  }
0xb0: {  	[tilespmem:$0x200] =	vst v2  }
0xb1: {  	[tilespmem:v2+s28+$0x0] =	vst.idx.add.f32.msk $0xffff, v1  }
0xb2: {  	v2 =	vld [tilespmem:$0x10]  }
0xb3: {  	v3 =	vld [tilespmem:$0x110];
	_ =	sdelay $0x4  }
0xb4: {  	vm9 =	veq.s32 v2, v3  }
0xb5: {  	v2 =	vsel vm9, $0x2710, v2;
	_ =	sdelay $0x3  }
0xb6: {  	[tilespmem:$0x210] =	vst v2  }
0xb7: {  	[tilespmem:v2+s28+$0x0] =	vst.idx.add.f32.msk $0xffff, v1  }
0xb8: {  	v2 =	vld [tilespmem:$0x20]  }
0xb9: {  	v3 =	vld [tilespmem:$0x120];
	_ =	sdelay $0x4  }
0xba: {  	vm10 =	veq.s32 v2, v3  }
0xbb: {  	v2 =	vsel vm10, $0x2710, v2;
	_ =	sdelay $0x3  }
0xbc: {  	[tilespmem:$0x220] =	vst v2  }
0xbd: {  	[tilespmem:v2+s28+$0x0] =	vst.idx.add.f32.msk $0xffff, v1  }
0xbe: {  	v2 =	vld [tilespmem:$0x30]  }
0xbf: {  	v3 =	vld [tilespmem:$0x130];
	_ =	sdelay $0x4  }
0xc0: {  	vm11 =	veq.s32 v2, v3  }
0xc1: {  	v2 =	vsel vm11, $0x2710, v2;
	_ =	sdelay $0x3  }
0xc2: {  	[tilespmem:$0x230] =	vst v2  }
0xc3: {  	[tilespmem:v2+s28+$0x0] =	vst.idx.add.f32.msk $0xffff, v1  }
0xc4: {  	v2 =	vld [tilespmem:$0x40]  }
0xc5: {  	v3 =	vld [tilespmem:$0x140];
	_ =	sdelay $0x4  }
0xc6: {  	vm12 =	veq.s32 v2, v3  }
0xc7: {  	v2 =	vsel vm12, $0x2710, v2;
	_ =	sdelay $0x3  }
0xc8: {  	[tilespmem:$0x240] =	vst v2  }
0xc9: {  	[tilespmem:v2+s28+$0x0] =	vst.idx.add.f32.msk $0xffff, v1  }
0xca: {  	v2 =	vld [tilespmem:$0x50]  }
0xcb: {  	v3 =	vld [tilespmem:$0x150];
	_ =	sdelay $0x4  }
0xcc: {  	vm13 =	veq.s32 v2, v3  }
0xcd: {  	v2 =	vsel vm13, $0x2710, v2;
	_ =	sdelay $0x3  }
0xce: {  	[tilespmem:$0x250] =	vst v2  }
0xcf: {  	[tilespmem:v2+s28+$0x0] =	vst.idx.add.f32.msk $0xffff, v1  }
0xd0: {  	v2 =	vld [tilespmem:$0x60]  }
0xd1: {  	v3 =	vld [tilespmem:$0x160];
	_ =	sdelay $0x4  }
0xd2: {  	vm14 =	veq.s32 v2, v3  }
0xd3: {  	v2 =	vsel vm14, $0x2710, v2;
	_ =	sdelay $0x3  }
0xd4: {  	[tilespmem:$0x260] =	vst v2  }
0xd5: {  	[tilespmem:v2+s28+$0x0] =	vst.idx.add.f32.msk $0xffff, v1  }
0xd6: {  	v2 =	vld [tilespmem:$0x70]  }
0xd7: {  	v3 =	vld [tilespmem:$0x170];
	_ =	sdelay $0x4  }
0xd8: {  	vm15 =	veq.s32 v2, v3  }
0xd9: {  	v2 =	vsel vm15, $0x2710, v2;
	_ =	sdelay $0x3  }
0xda: {  	[tilespmem:$0x270] =	vst v2  }
0xdb: {  	[tilespmem:v2+s28+$0x0] =	vst.idx.add.f32.msk $0xffff, v1  }
0xdc: {  	s8 =	sadd.s32 $0x2, s31;
	_ =	swait.ge [sflag:s29], $0x4000  }
0xdd: {  	p0 =	sge.u32 s8, s5;
	[sflag:s29] =	ssyncset.done $0x0  }
0xde: {  	s8 =	sadd.s32 @!p0 $0xFFFFFFF0, s19;
	s10 =	simm.s32 @!p0 $0x0;
	[sflag:s29] =	ssyncadd.s32 $0xFFFFC000  }
0xdf: {  	[tilespmem:s10], [sflag:$0x1] =	stream.linear.gather @!p0 [hbm4b:s8+s10], $0x80, $0x38;
	[tilespmem:$0x1E680] =	vst v63  }
0xe0: {  	s8 =	simm.s32 @!p0 $0x100  }
0xe1: {  	[tilespmem:s8], [sflag:$0x1] =	stream.linear.gather @!p0 [hbm4b:s19+s10], $0x80, $0x38;
	[tilespmem:$0x1E680] =	vst v63  }
0xe2: {  	p0 =	sge.u32 s31, s15  }
0xe3: {  	s8 =	simm.s32 @!p0 $0x2  }
0xe4: {  	_ =	swait.ge @!p0 [sflag:s8], $0x80  }
0xe5: {  	[sflag:s8] =	ssyncset.done @!p0 $0x0  }
0xe6: {  	[sflag:s8] =	ssyncadd.s32 @!p0 $0xFFFFFF80  }
0xe7: {  	_ =	swait.ge @!p0 [sflag:s8], $0x80  }
.Ltmp7:
0xe8: {  	s10 =	simm.s32 @!p0 $0x180;
	[sflag:s8] =	ssyncset.done @!p0 $0x0;
	(pc) =	sbr.rel .LBB2_9-.Ltmp7, $4  }
0xe9: {  	s11 =	simm.s32 @!p0 $0x4300;
	[sflag:s8] =	ssyncadd.s32 @!p0 $0xFFFFFF80;
	s8 =	simm.s32 @!p0 $0x80  }
0xea: {  	[tilespmem:s11], [sflag:$0x4] =	stream.indirect.gather @!p0 [hbm4b:s0+s8], $0x80, s10, s8, $0xb8;
	[tilespmem:$0x1E680] =	vst v63  }
0xeb: {  	s8 =	simm.s32 $0x6  }
0xec: {  	[spmem:s3] =	stream.indirect.scatter.add.f32 [tilespmem:s26], [sflag:$0x6], $0x80, s30, s21, $0xb8;
	[tilespmem:$0x1E680] =	vst v63  }
.LBB2_11:
0xed: {  	_ =	sfence.sel $0x180000  }
0xee: {  	[bflag:$0x0] =	sbarrier.arrive $0xFFFF  }
0xef: {  	_ =	strace $0x90000047  }
0xf0: {  	s0 =	stileid.u32;
	[bflag:$0x2] =	sbarrier.arrive $0xFFFF  }
0xf1: {  	p0 =	sne.s32 s0, $0x0;
	s0 =	rddreg [dreg:$0x5]  }
0xf2: {  	s0 =	sadd.s32 @!p0 $0x100000, s0  }
0xf3: {  	[sflag:s0] =	ssyncadd.tile.s32 @!p0 $0x1;
	_ =	shalt  }
.Lfunc_end2:
_tile_overlayer_lowered:
.L_overlay_start_2:
0xf4: {  	(tag) =	ssettag $0x2  }
0xf5: {  	s0 =	rddreg [dreg:$0x0];
	s2 =	stileid.u32  }
0xf6: {  	s1 =	rddreg [dreg:$0x1];
	p0 =	sne.s32 s2, $0x0  }
0xf7: {  	s3 =	rddreg [dreg:$0x2];
	[bflag:$0x3] =	sbarrier.arrive $0xFFFF;
	s2 =	simm.s32 @!p0 $0x1C05  }
0xf8: {  	[timem:s3], [sflag:s2] =	dma.local @!p0 [hbm:s0], s1  }
0xf9: {  	s0 =	simm.s32 @!p0 $0x5  }
0xfa: {  	_ =	swait.ge @!p0 [sflag:s0], s1  }
0xfb: {  	s1 =	ssub.s32 @!p0 $0x0, s1;
	[sflag:s0] =	ssyncset.done @!p0 $0x0  }
0xfc: {  	[sflag:s0] =	ssyncadd.s32 @!p0 s1  }
0xfd: {  	[bflag:$0x3] =	sbarrier.arrive $0xFFFF  }
0xfe: {  	_ =	shalt  }

</sc_bundles>
